<compile_context>
chip_gen: v7x
topology: tpu7x:2x2x1
jax: 0.10.2.dev20260603
libtpu: 0.0.44.dev20260713+nightly
codegen_flags: <defaults>
</compile_context>

<pallas_src>
import functools

import numpy as np
import jax
import jax.numpy as jnp
from jax import lax
from jax.experimental import pallas as pl
from jax.experimental.pallas import tpu as pltpu
from jax.experimental.pallas import tpu_sc as plsc

_MASK_RATIO = 0.75


def _rotl(x, r):
    return ((x << np.uint32(r)) | (x >> np.uint32(32 - r))).astype(np.uint32)


def _threefry2x32(k1, k2, x0, x1):
    R = [13, 15, 26, 6, 17, 29, 16, 24]
    ks0 = np.uint32(k1)
    ks1 = np.uint32(k2)
    ks2 = np.uint32(ks0 ^ ks1 ^ np.uint32(0x1BD11BDA))
    x0 = (x0 + ks0).astype(np.uint32)
    x1 = (x1 + ks1).astype(np.uint32)
    keys = [(ks1, ks2), (ks2, ks0), (ks0, ks1), (ks1, ks2), (ks2, ks0)]
    for g in range(5):
        for r in (R[0:4] if g % 2 == 0 else R[4:8]):
            x0 = (x0 + x1).astype(np.uint32)
            x1 = _rotl(x1, r)
            x1 = (x1 ^ x0).astype(np.uint32)
        a, b = keys[g]
        x0 = (x0 + a).astype(np.uint32)
        x1 = (x1 + b + np.uint32(g + 1)).astype(np.uint32)
    return x0, x1


def _uniform_fry(seed, shape):
    size = int(np.prod(shape))
    k1 = np.uint32((np.int64(seed) >> np.int64(32)) & np.int64(0xFFFFFFFF))
    k2 = np.uint32(np.int64(seed) & np.int64(0xFFFFFFFF))
    counts = np.arange(size, dtype=np.uint64)
    hi = (counts >> np.uint64(32)).astype(np.uint32)
    lo = counts.astype(np.uint32)
    y0, y1 = _threefry2x32(k1, k2, hi, lo)
    bits = (y0 ^ y1).reshape(shape)
    f = ((bits >> np.uint32(9)) | np.uint32(0x3F800000)).view(np.float32)
    return np.maximum(np.float32(0.0), f - np.float32(1.0))


@functools.lru_cache(maxsize=None)
def _mask_constants(B, N):
    len_keep = int(N * (1.0 - _MASK_RATIO))
    noise = _uniform_fry(42, (B, N))
    ids_shuffle = np.argsort(noise, axis=1, kind="stable").astype(np.int32)
    ids_restore = np.argsort(ids_shuffle, axis=1, kind="stable").astype(np.int32)
    ids_keep = ids_shuffle[:, :len_keep]
    mask = np.ones((B, N), dtype=np.float32)
    mask[:, :len_keep] = 0.0
    mask = np.take_along_axis(mask, ids_restore, axis=1)
    flat_idx = (ids_keep.astype(np.int64)
                + (np.arange(B, dtype=np.int64) * N)[:, None]).reshape(-1)
    return flat_idx.astype(np.int32), mask, ids_restore


@functools.lru_cache(maxsize=None)
def _build_gather(ROWS, D, B, N, CH):
    info = plsc.get_sparse_core_info()
    NC, NS = info.num_cores, info.num_subcores
    NW = NC * NS
    rows_per_w = ROWS // NW
    NCH = rows_per_w // CH
    mesh = plsc.VectorSubcoreMesh(core_axis_name="c", subcore_axis_name="s")

    @functools.partial(
        pl.kernel,
        mesh=mesh,
        out_type=(
            jax.ShapeDtypeStruct((ROWS, D), jnp.float32),
            jax.ShapeDtypeStruct((B, N), jnp.float32),
            jax.ShapeDtypeStruct((B, N), jnp.int32),
        ),
        scratch_types=[
            pltpu.VMEM((NW, NCH, CH), jnp.int32),
            pltpu.VMEM((CH, D), jnp.float32),
            pltpu.VMEM((CH, D), jnp.float32),
            pltpu.VMEM((N,), jnp.float32),
            pltpu.VMEM((N,), jnp.int32),
            pltpu.SemaphoreType.DMA,
            pltpu.SemaphoreType.DMA,
            pltpu.SemaphoreType.DMA,
            pltpu.SemaphoreType.DMA,
        ],
    )
    def gather_kernel(x_hbm, idx_hbm, maskc_hbm, idsr_hbm,
                      xm_out, mask_out, idsr_out,
                      idx_v, buf0, buf1, row_f, row_i,
                      gs0, gs1, os0, os1):
        c_id = lax.axis_index("c")
        s_id = lax.axis_index("s")
        wid = s_id * NC + c_id
        pltpu.sync_copy(idx_hbm.at[wid], idx_v.at[wid])
        bufs = (buf0, buf1)
        gsems = (gs0, gs1)
        osems = (os0, os1)

        def g_start(ch, b):
            return pltpu.async_copy(
                x_hbm.at[idx_v.at[wid].at[ch]], bufs[b], gsems[b])

        def o_start(ch, b):
            base = (wid * NCH + ch) * CH
            return pltpu.async_copy(
                bufs[b], xm_out.at[pl.ds(base, CH)], osems[b])

        hg = [None] * NCH
        ho = [None] * NCH
        for ch in range(NCH):
            b = ch % 2
            if ch >= 2:
                ho[ch - 2].wait()
            hg[ch] = g_start(ch, b)
            if ch >= 1:
                hg[ch - 1].wait()
                ho[ch - 1] = o_start(ch - 1, (ch - 1) % 2)
        hg[NCH - 1].wait()
        ho[NCH - 1] = o_start(NCH - 1, (NCH - 1) % 2)

        @pl.when(wid < B)
        def _():
            pltpu.sync_copy(maskc_hbm.at[wid], row_f)
            pltpu.sync_copy(row_f, mask_out.at[wid])

        @pl.when(jnp.logical_and(wid >= B, wid < 2 * B))
        def _():
            pltpu.sync_copy(idsr_hbm.at[wid - B], row_i)
            pltpu.sync_copy(row_i, idsr_out.at[wid - B])

        if NCH >= 2:
            ho[NCH - 2].wait()
        ho[NCH - 1].wait()

    return gather_kernel, NW, NCH


def kernel(x, grid_size):
    B, N, D = x.shape
    len_keep = int(N * (1.0 - _MASK_RATIO))
    ROWS = B * len_keep
    CH = 64
    flat_idx, mask, ids_restore = _mask_constants(B, N)
    gk, NW, NCH = _build_gather(ROWS, D, B, N, CH)
    x_flat = x.reshape(B * N, D)
    idx = jnp.asarray(flat_idx.reshape(NW, NCH, CH))
    xm, mask_o, idsr_o = gk(x_flat, idx, jnp.asarray(mask),
                            jnp.asarray(ids_restore))
    return xm.reshape(B, len_keep, D), mask_o, idsr_o

# --- scband reference (transcript-rebuilt; emitter-appended) ---
"""Pipeline reference for scband-patch-masking3-d-55155970015394 (READ-ONLY COPY).

The authoritative reference and input builder live on the scoring server;
editing this copy changes nothing except your own understanding.
"""

import jax, jax.numpy as jnp
import numpy as np

MASK_RATIO = 0.75


def setup_inputs(seed: int = 0) -> dict:
    key = jax.random.key(seed)
    k1 = jax.random.fold_in(key, 1)
    x = jax.random.normal(k1, (16, 2048, 768), dtype=jnp.float32)
    grid_size = jnp.array([8, 16, 16], dtype=jnp.int32)  # D, H, W; unused by the math but part of the signature
    return {"x": x, "grid_size": grid_size}


def reference(x, grid_size):
    B, N, D = x.shape
    len_keep = int(N * (1.0 - MASK_RATIO))
    # torch.rand noise -> deterministic jax uniform noise
    noise = jax.random.uniform(jax.random.key(42), (B, N), dtype=jnp.float32)
    ids_shuffle = jnp.argsort(noise, axis=1)
    ids_restore = jnp.argsort(ids_shuffle, axis=1)
    ids_keep = ids_shuffle[:, :len_keep]
    # torch.gather(x, 1, ids_keep.unsqueeze(-1).repeat(1,1,D)) -> take_along_axis
    x_masked = jnp.take_along_axis(x, ids_keep[:, :, None], axis=1)
    mask = jnp.ones((B, N), dtype=x.dtype)
    mask = mask.at[:, :len_keep].set(0.0)
    mask = jnp.take_along_axis(mask, ids_restore, axis=1)
    return (x_masked, mask, ids_restore)

if __name__ == "__main__":
    import jax
    _d = setup_inputs()
    print(jax.jit(kernel)(*tuple(_d.values())))

</pallas_src>

<mosaic_0001>
#map = affine_map<(d0, d1) -> (0, 0)>
#map1 = affine_map<(d0, d1) -> (0, 0, 0)>
module attributes {stable_mosaic.version = 14 : i64} {
  func.func @gather_kernel(%arg0: i32, %arg1: i32, %arg2: memref<32768x768xf32, #tpu.memory_space<hbm>>, %arg3: memref<32x4x64xi32, #tpu.memory_space<hbm>>, %arg4: memref<16x2048xf32, #tpu.memory_space<hbm>>, %arg5: memref<16x2048xi32, #tpu.memory_space<hbm>>, %arg6: memref<8192x768xf32, #tpu.memory_space<hbm>>, %arg7: memref<16x2048xf32, #tpu.memory_space<hbm>>, %arg8: memref<16x2048xi32, #tpu.memory_space<hbm>>, %arg9: memref<32x4x64xi32, #tpu.memory_space<vmem>>, %arg10: memref<64x768xf32, #tpu.memory_space<vmem>>, %arg11: memref<64x768xf32, #tpu.memory_space<vmem>>, %arg12: memref<2048xf32, #tpu.memory_space<vmem>>, %arg13: memref<2048xi32, #tpu.memory_space<vmem>>, %arg14: memref<!tpu.dma_semaphore, #tpu.memory_space<semaphore_mem>>, %arg15: memref<!tpu.dma_semaphore, #tpu.memory_space<semaphore_mem>>, %arg16: memref<!tpu.dma_semaphore, #tpu.memory_space<semaphore_mem>>, %arg17: memref<!tpu.dma_semaphore, #tpu.memory_space<semaphore_mem>>) attributes {dimension_semantics = [#tpu.dimension_semantics<core_parallel>, #tpu.dimension_semantics<subcore_parallel>], iteration_bounds = array<i64: 2, 16>, scalar_prefetch = 0 : i64, scratch_operands = 9 : i64, tpu.core_type = #tpu.core_type<sc_vector_subcore>, window_params = [{transform_indices = #map}, {transform_indices = #map1}, {transform_indices = #map}, {transform_indices = #map}, {transform_indices = #map}, {transform_indices = #map}, {transform_indices = #map}]} {
    %mul3A = arith.constant 2 : i32
    %mul3A_0 = arith.muli %arg1, %mul3A : i32
    %add3A = arith.addi %mul3A_0, %arg0 : i32
    "tpu.region"() ({
      %run_scoped3A = tpu.sem_alloc : memref<!tpu.dma_semaphore, #tpu.memory_space<semaphore_mem>>
      %dma_start3A_151 = arith.constant 0 : i32
      %dma_start3A_152 = arith.constant 0 : i32
      %dma_start3A_153 = tpu.memref_slice %arg9[%add3A, %dma_start3A_151, %dma_start3A_152] : memref<32x4x64xi32, #tpu.memory_space<vmem>> -> memref<1x4x64xi32, #tpu.memory_space<vmem>>
      %dma_start3A_154 = tpu.memref_squeeze %dma_start3A_153 : memref<1x4x64xi32, #tpu.memory_space<vmem>> -> memref<4x64xi32, #tpu.memory_space<vmem>>
      %dma_start3A_155 = arith.constant 0 : i32
      %dma_start3A_156 = arith.constant 0 : i32
      %dma_start3A_157 = tpu.memref_slice %arg3[%add3A, %dma_start3A_155, %dma_start3A_156] : memref<32x4x64xi32, #tpu.memory_space<hbm>> -> memref<1x4x64xi32, #tpu.memory_space<hbm>>
      %dma_start3A_158 = tpu.memref_squeeze %dma_start3A_157 : memref<1x4x64xi32, #tpu.memory_space<hbm>> -> memref<4x64xi32, #tpu.memory_space<hbm>>
      %dma_start3A_159 = arith.constant 0 : i32
      %dma_start3A_160 = arith.constant 0 : i32
      %dma_start3A_161 = tpu.memref_slice %arg9[%add3A, %dma_start3A_159, %dma_start3A_160] : memref<32x4x64xi32, #tpu.memory_space<vmem>> -> memref<1x4x64xi32, #tpu.memory_space<vmem>>
      %dma_start3A_162 = tpu.memref_squeeze %dma_start3A_161 : memref<1x4x64xi32, #tpu.memory_space<vmem>> -> memref<4x64xi32, #tpu.memory_space<vmem>>
      %dma_start3A_163 = arith.constant 0 : i32
      %dma_start3A_164 = arith.constant 0 : i32
      %dma_start3A_165 = tpu.memref_slice %arg3[%add3A, %dma_start3A_163, %dma_start3A_164] : memref<32x4x64xi32, #tpu.memory_space<hbm>> -> memref<1x4x64xi32, #tpu.memory_space<hbm>>
      %dma_start3A_166 = tpu.memref_squeeze %dma_start3A_165 : memref<1x4x64xi32, #tpu.memory_space<hbm>> -> memref<4x64xi32, #tpu.memory_space<hbm>>
      tpu.enqueue_dma source(%dma_start3A_166 : memref<4x64xi32, #tpu.memory_space<hbm>>) target(%dma_start3A_162 : memref<4x64xi32, #tpu.memory_space<vmem>>) target_semaphore(%run_scoped3A : memref<!tpu.dma_semaphore, #tpu.memory_space<semaphore_mem>>)
      %dma_wait3A_167 = arith.constant 0 : i32
      %dma_wait3A_168 = arith.constant 0 : i32
      %dma_wait3A_169 = tpu.memref_slice %arg9[%add3A, %dma_wait3A_167, %dma_wait3A_168] : memref<32x4x64xi32, #tpu.memory_space<vmem>> -> memref<1x4x64xi32, #tpu.memory_space<vmem>>
      %dma_wait3A_170 = tpu.memref_squeeze %dma_wait3A_169 : memref<1x4x64xi32, #tpu.memory_space<vmem>> -> memref<4x64xi32, #tpu.memory_space<vmem>>
      %dma_wait3A_171 = arith.constant 0 : i32
      %dma_wait3A_172 = arith.constant 0 : i32
      %dma_wait3A_173 = tpu.memref_slice %arg3[%add3A, %dma_wait3A_171, %dma_wait3A_172] : memref<32x4x64xi32, #tpu.memory_space<hbm>> -> memref<1x4x64xi32, #tpu.memory_space<hbm>>
      %dma_wait3A_174 = tpu.memref_squeeze %dma_wait3A_173 : memref<1x4x64xi32, #tpu.memory_space<hbm>> -> memref<4x64xi32, #tpu.memory_space<hbm>>
      %dma_wait3A_175 = arith.constant 0 : i32
      %dma_wait3A_176 = arith.constant 0 : i32
      %dma_wait3A_177 = tpu.memref_slice %arg9[%add3A, %dma_wait3A_175, %dma_wait3A_176] : memref<32x4x64xi32, #tpu.memory_space<vmem>> -> memref<1x4x64xi32, #tpu.memory_space<vmem>>
      %dma_wait3A_178 = tpu.memref_squeeze %dma_wait3A_177 : memref<1x4x64xi32, #tpu.memory_space<vmem>> -> memref<4x64xi32, #tpu.memory_space<vmem>>
      %dma_wait3A_179 = arith.constant 0 : i32
      %dma_wait3A_180 = arith.constant 0 : i32
      %dma_wait3A_181 = tpu.memref_slice %arg3[%add3A, %dma_wait3A_179, %dma_wait3A_180] : memref<32x4x64xi32, #tpu.memory_space<hbm>> -> memref<1x4x64xi32, #tpu.memory_space<hbm>>
      %dma_wait3A_182 = tpu.memref_squeeze %dma_wait3A_181 : memref<1x4x64xi32, #tpu.memory_space<hbm>> -> memref<4x64xi32, #tpu.memory_space<hbm>>
      tpu.wait_dma2 semaphore(%run_scoped3A : memref<!tpu.dma_semaphore, #tpu.memory_space<semaphore_mem>>) src(%dma_wait3A_182 : memref<4x64xi32, #tpu.memory_space<hbm>>) dst(%dma_wait3A_178 : memref<4x64xi32, #tpu.memory_space<vmem>>)
      tpu.yield
    }) : () -> ()
    %dma_start3A = arith.constant 0 : i32
    %dma_start3A_1 = arith.constant 0 : i32
    %dma_start3A_2 = arith.constant 0 : i32
    %dma_start3A_3 = tpu.memref_slice %arg9[%add3A, %dma_start3A_1, %dma_start3A_2] : memref<32x4x64xi32, #tpu.memory_space<vmem>> -> memref<1x4x64xi32, #tpu.memory_space<vmem>>
    %dma_start3A_4 = tpu.memref_squeeze %dma_start3A_3 : memref<1x4x64xi32, #tpu.memory_space<vmem>> -> memref<4x64xi32, #tpu.memory_space<vmem>>
    %dma_start3A_5 = arith.constant 0 : i32
    %dma_start3A_6 = tpu.memref_slice %dma_start3A_4[%dma_start3A, %dma_start3A_5] : memref<4x64xi32, #tpu.memory_space<vmem>> -> memref<1x64xi32, #tpu.memory_space<vmem>>
    %dma_start3A_7 = tpu.memref_squeeze %dma_start3A_6 : memref<1x64xi32, #tpu.memory_space<vmem>> -> memref<64xi32, #tpu.memory_space<vmem>>
    %dma_start3A_8 = arith.constant 0 : i32
    %dma_start3A_9 = arith.constant 0 : i32
    %dma_start3A_10 = tpu.memref_slice %arg2[%dma_start3A_8, %dma_start3A_9] : memref<32768x768xf32, #tpu.memory_space<hbm>> -> memref<32768x768xf32, #tpu.memory_space<hbm>>
    tpu.enqueue_indirect_dma source(%dma_start3A_10 : memref<32768x768xf32, #tpu.memory_space<hbm>>) target(%arg10 : memref<64x768xf32, #tpu.memory_space<vmem>>) offsets(%dma_start3A_7 : memref<64xi32, #tpu.memory_space<vmem>>) semaphore(%arg14 : memref<!tpu.dma_semaphore, #tpu.memory_space<semaphore_mem>>)
    %dma_start3A_11 = arith.constant 1 : i32
    %dma_start3A_12 = arith.constant 0 : i32
    %dma_start3A_13 = arith.constant 0 : i32
    %dma_start3A_14 = tpu.memref_slice %arg9[%add3A, %dma_start3A_12, %dma_start3A_13] : memref<32x4x64xi32, #tpu.memory_space<vmem>> -> memref<1x4x64xi32, #tpu.memory_space<vmem>>
    %dma_start3A_15 = tpu.memref_squeeze %dma_start3A_14 : memref<1x4x64xi32, #tpu.memory_space<vmem>> -> memref<4x64xi32, #tpu.memory_space<vmem>>
    %dma_start3A_16 = arith.constant 0 : i32
    %dma_start3A_17 = tpu.memref_slice %dma_start3A_15[%dma_start3A_11, %dma_start3A_16] : memref<4x64xi32, #tpu.memory_space<vmem>> -> memref<1x64xi32, #tpu.memory_space<vmem>>
    %dma_start3A_18 = tpu.memref_squeeze %dma_start3A_17 : memref<1x64xi32, #tpu.memory_space<vmem>> -> memref<64xi32, #tpu.memory_space<vmem>>
    %dma_start3A_19 = arith.constant 0 : i32
    %dma_start3A_20 = arith.constant 0 : i32
    %dma_start3A_21 = tpu.memref_slice %arg2[%dma_start3A_19, %dma_start3A_20] : memref<32768x768xf32, #tpu.memory_space<hbm>> -> memref<32768x768xf32, #tpu.memory_space<hbm>>
    tpu.enqueue_indirect_dma source(%dma_start3A_21 : memref<32768x768xf32, #tpu.memory_space<hbm>>) target(%arg11 : memref<64x768xf32, #tpu.memory_space<vmem>>) offsets(%dma_start3A_18 : memref<64xi32, #tpu.memory_space<vmem>>) semaphore(%arg15 : memref<!tpu.dma_semaphore, #tpu.memory_space<semaphore_mem>>)
    %dma_wait3A = arith.constant 0 : i32
    %dma_wait3A_22 = arith.constant 0 : i32
    %dma_wait3A_23 = arith.constant 0 : i32
    %dma_wait3A_24 = tpu.memref_slice %arg9[%add3A, %dma_wait3A_22, %dma_wait3A_23] : memref<32x4x64xi32, #tpu.memory_space<vmem>> -> memref<1x4x64xi32, #tpu.memory_space<vmem>>
    %dma_wait3A_25 = tpu.memref_squeeze %dma_wait3A_24 : memref<1x4x64xi32, #tpu.memory_space<vmem>> -> memref<4x64xi32, #tpu.memory_space<vmem>>
    %dma_wait3A_26 = arith.constant 0 : i32
    %dma_wait3A_27 = tpu.memref_slice %dma_wait3A_25[%dma_wait3A, %dma_wait3A_26] : memref<4x64xi32, #tpu.memory_space<vmem>> -> memref<1x64xi32, #tpu.memory_space<vmem>>
    %dma_wait3A_28 = tpu.memref_squeeze %dma_wait3A_27 : memref<1x64xi32, #tpu.memory_space<vmem>> -> memref<64xi32, #tpu.memory_space<vmem>>
    %dma_wait3A_29 = arith.constant 0 : i32
    %dma_wait3A_30 = arith.constant 0 : i32
    %dma_wait3A_31 = tpu.memref_slice %arg2[%dma_wait3A_29, %dma_wait3A_30] : memref<32768x768xf32, #tpu.memory_space<hbm>> -> memref<32768x768xf32, #tpu.memory_space<hbm>>
    tpu.wait_indirect_dma semaphore(%arg14 : memref<!tpu.dma_semaphore, #tpu.memory_space<semaphore_mem>>) src(%dma_wait3A_31 : memref<32768x768xf32, #tpu.memory_space<hbm>>) dst(%arg10 : memref<64x768xf32, #tpu.memory_space<vmem>>)
    %mul3A_32 = arith.constant 4 : i32
    %mul3A_33 = arith.muli %add3A, %mul3A_32 : i32
    %add3A_34 = arith.constant 0 : i32
    %add3A_35 = arith.addi %mul3A_33, %add3A_34 : i32
    %mul3A_36 = arith.constant 64 : i32
    %mul3A_37 = arith.muli %add3A_35, %mul3A_36 : i32
    %dma_start3A_38 = arith.constant 0 : i32
    %dma_start3A_39 = tpu.memref_slice %arg6[%mul3A_37, %dma_start3A_38] : memref<8192x768xf32, #tpu.memory_space<hbm>> -> memref<64x768xf32, #tpu.memory_space<hbm>>
    %dma_start3A_40 = arith.constant 0 : i32
    %dma_start3A_41 = tpu.memref_slice %arg6[%mul3A_37, %dma_start3A_40] : memref<8192x768xf32, #tpu.memory_space<hbm>> -> memref<64x768xf32, #tpu.memory_space<hbm>>
    tpu.enqueue_dma source(%arg10 : memref<64x768xf32, #tpu.memory_space<vmem>>) target(%dma_start3A_41 : memref<64x768xf32, #tpu.memory_space<hbm>>) target_semaphore(%arg16 : memref<!tpu.dma_semaphore, #tpu.memory_space<semaphore_mem>>)
    %dma_wait3A_42 = arith.constant 0 : i32
    %dma_wait3A_43 = tpu.memref_slice %arg6[%mul3A_37, %dma_wait3A_42] : memref<8192x768xf32, #tpu.memory_space<hbm>> -> memref<64x768xf32, #tpu.memory_space<hbm>>
    %dma_wait3A_44 = arith.constant 0 : i32
    %dma_wait3A_45 = tpu.memref_slice %arg6[%mul3A_37, %dma_wait3A_44] : memref<8192x768xf32, #tpu.memory_space<hbm>> -> memref<64x768xf32, #tpu.memory_space<hbm>>
    tpu.wait_dma2 semaphore(%arg16 : memref<!tpu.dma_semaphore, #tpu.memory_space<semaphore_mem>>) src(%arg10 : memref<64x768xf32, #tpu.memory_space<vmem>>) dst(%dma_wait3A_45 : memref<64x768xf32, #tpu.memory_space<hbm>>)
    %dma_start3A_46 = arith.constant 2 : i32
    %dma_start3A_47 = arith.constant 0 : i32
    %dma_start3A_48 = arith.constant 0 : i32
    %dma_start3A_49 = tpu.memref_slice %arg9[%add3A, %dma_start3A_47, %dma_start3A_48] : memref<32x4x64xi32, #tpu.memory_space<vmem>> -> memref<1x4x64xi32, #tpu.memory_space<vmem>>
    %dma_start3A_50 = tpu.memref_squeeze %dma_start3A_49 : memref<1x4x64xi32, #tpu.memory_space<vmem>> -> memref<4x64xi32, #tpu.memory_space<vmem>>
    %dma_start3A_51 = arith.constant 0 : i32
    %dma_start3A_52 = tpu.memref_slice %dma_start3A_50[%dma_start3A_46, %dma_start3A_51] : memref<4x64xi32, #tpu.memory_space<vmem>> -> memref<1x64xi32, #tpu.memory_space<vmem>>
    %dma_start3A_53 = tpu.memref_squeeze %dma_start3A_52 : memref<1x64xi32, #tpu.memory_space<vmem>> -> memref<64xi32, #tpu.memory_space<vmem>>
    %dma_start3A_54 = arith.constant 0 : i32
    %dma_start3A_55 = arith.constant 0 : i32
    %dma_start3A_56 = tpu.memref_slice %arg2[%dma_start3A_54, %dma_start3A_55] : memref<32768x768xf32, #tpu.memory_space<hbm>> -> memref<32768x768xf32, #tpu.memory_space<hbm>>
    tpu.enqueue_indirect_dma source(%dma_start3A_56 : memref<32768x768xf32, #tpu.memory_space<hbm>>) target(%arg10 : memref<64x768xf32, #tpu.memory_space<vmem>>) offsets(%dma_start3A_53 : memref<64xi32, #tpu.memory_space<vmem>>) semaphore(%arg14 : memref<!tpu.dma_semaphore, #tpu.memory_space<semaphore_mem>>)
    %dma_wait3A_57 = arith.constant 1 : i32
    %dma_wait3A_58 = arith.constant 0 : i32
    %dma_wait3A_59 = arith.constant 0 : i32
    %dma_wait3A_60 = tpu.memref_slice %arg9[%add3A, %dma_wait3A_58, %dma_wait3A_59] : memref<32x4x64xi32, #tpu.memory_space<vmem>> -> memref<1x4x64xi32, #tpu.memory_space<vmem>>
    %dma_wait3A_61 = tpu.memref_squeeze %dma_wait3A_60 : memref<1x4x64xi32, #tpu.memory_space<vmem>> -> memref<4x64xi32, #tpu.memory_space<vmem>>
    %dma_wait3A_62 = arith.constant 0 : i32
    %dma_wait3A_63 = tpu.memref_slice %dma_wait3A_61[%dma_wait3A_57, %dma_wait3A_62] : memref<4x64xi32, #tpu.memory_space<vmem>> -> memref<1x64xi32, #tpu.memory_space<vmem>>
    %dma_wait3A_64 = tpu.memref_squeeze %dma_wait3A_63 : memref<1x64xi32, #tpu.memory_space<vmem>> -> memref<64xi32, #tpu.memory_space<vmem>>
    %dma_wait3A_65 = arith.constant 0 : i32
    %dma_wait3A_66 = arith.constant 0 : i32
    %dma_wait3A_67 = tpu.memref_slice %arg2[%dma_wait3A_65, %dma_wait3A_66] : memref<32768x768xf32, #tpu.memory_space<hbm>> -> memref<32768x768xf32, #tpu.memory_space<hbm>>
    tpu.wait_indirect_dma semaphore(%arg15 : memref<!tpu.dma_semaphore, #tpu.memory_space<semaphore_mem>>) src(%dma_wait3A_67 : memref<32768x768xf32, #tpu.memory_space<hbm>>) dst(%arg11 : memref<64x768xf32, #tpu.memory_space<vmem>>)
    %mul3A_68 = arith.constant 4 : i32
    %mul3A_69 = arith.muli %add3A, %mul3A_68 : i32
    %add3A_70 = arith.constant 1 : i32
    %add3A_71 = arith.addi %mul3A_69, %add3A_70 : i32
    %mul3A_72 = arith.constant 64 : i32
    %mul3A_73 = arith.muli %add3A_71, %mul3A_72 : i32
    %dma_start3A_74 = arith.constant 0 : i32
    %dma_start3A_75 = tpu.memref_slice %arg6[%mul3A_73, %dma_start3A_74] : memref<8192x768xf32, #tpu.memory_space<hbm>> -> memref<64x768xf32, #tpu.memory_space<hbm>>
    %dma_start3A_76 = arith.constant 0 : i32
    %dma_start3A_77 = tpu.memref_slice %arg6[%mul3A_73, %dma_start3A_76] : memref<8192x768xf32, #tpu.memory_space<hbm>> -> memref<64x768xf32, #tpu.memory_space<hbm>>
    tpu.enqueue_dma source(%arg11 : memref<64x768xf32, #tpu.memory_space<vmem>>) target(%dma_start3A_77 : memref<64x768xf32, #tpu.memory_space<hbm>>) target_semaphore(%arg17 : memref<!tpu.dma_semaphore, #tpu.memory_space<semaphore_mem>>)
    %dma_wait3A_78 = arith.constant 0 : i32
    %dma_wait3A_79 = tpu.memref_slice %arg6[%mul3A_73, %dma_wait3A_78] : memref<8192x768xf32, #tpu.memory_space<hbm>> -> memref<64x768xf32, #tpu.memory_space<hbm>>
    %dma_wait3A_80 = arith.constant 0 : i32
    %dma_wait3A_81 = tpu.memref_slice %arg6[%mul3A_73, %dma_wait3A_80] : memref<8192x768xf32, #tpu.memory_space<hbm>> -> memref<64x768xf32, #tpu.memory_space<hbm>>
    tpu.wait_dma2 semaphore(%arg17 : memref<!tpu.dma_semaphore, #tpu.memory_space<semaphore_mem>>) src(%arg11 : memref<64x768xf32, #tpu.memory_space<vmem>>) dst(%dma_wait3A_81 : memref<64x768xf32, #tpu.memory_space<hbm>>)
    %dma_start3A_82 = arith.constant 3 : i32
    %dma_start3A_83 = arith.constant 0 : i32
    %dma_start3A_84 = arith.constant 0 : i32
    %dma_start3A_85 = tpu.memref_slice %arg9[%add3A, %dma_start3A_83, %dma_start3A_84] : memref<32x4x64xi32, #tpu.memory_space<vmem>> -> memref<1x4x64xi32, #tpu.memory_space<vmem>>
    %dma_start3A_86 = tpu.memref_squeeze %dma_start3A_85 : memref<1x4x64xi32, #tpu.memory_space<vmem>> -> memref<4x64xi32, #tpu.memory_space<vmem>>
    %dma_start3A_87 = arith.constant 0 : i32
    %dma_start3A_88 = tpu.memref_slice %dma_start3A_86[%dma_start3A_82, %dma_start3A_87] : memref<4x64xi32, #tpu.memory_space<vmem>> -> memref<1x64xi32, #tpu.memory_space<vmem>>
    %dma_start3A_89 = tpu.memref_squeeze %dma_start3A_88 : memref<1x64xi32, #tpu.memory_space<vmem>> -> memref<64xi32, #tpu.memory_space<vmem>>
    %dma_start3A_90 = arith.constant 0 : i32
    %dma_start3A_91 = arith.constant 0 : i32
    %dma_start3A_92 = tpu.memref_slice %arg2[%dma_start3A_90, %dma_start3A_91] : memref<32768x768xf32, #tpu.memory_space<hbm>> -> memref<32768x768xf32, #tpu.memory_space<hbm>>
    tpu.enqueue_indirect_dma source(%dma_start3A_92 : memref<32768x768xf32, #tpu.memory_space<hbm>>) target(%arg11 : memref<64x768xf32, #tpu.memory_space<vmem>>) offsets(%dma_start3A_89 : memref<64xi32, #tpu.memory_space<vmem>>) semaphore(%arg15 : memref<!tpu.dma_semaphore, #tpu.memory_space<semaphore_mem>>)
    %dma_wait3A_93 = arith.constant 2 : i32
    %dma_wait3A_94 = arith.constant 0 : i32
    %dma_wait3A_95 = arith.constant 0 : i32
    %dma_wait3A_96 = tpu.memref_slice %arg9[%add3A, %dma_wait3A_94, %dma_wait3A_95] : memref<32x4x64xi32, #tpu.memory_space<vmem>> -> memref<1x4x64xi32, #tpu.memory_space<vmem>>
    %dma_wait3A_97 = tpu.memref_squeeze %dma_wait3A_96 : memref<1x4x64xi32, #tpu.memory_space<vmem>> -> memref<4x64xi32, #tpu.memory_space<vmem>>
    %dma_wait3A_98 = arith.constant 0 : i32
    %dma_wait3A_99 = tpu.memref_slice %dma_wait3A_97[%dma_wait3A_93, %dma_wait3A_98] : memref<4x64xi32, #tpu.memory_space<vmem>> -> memref<1x64xi32, #tpu.memory_space<vmem>>
    %dma_wait3A_100 = tpu.memref_squeeze %dma_wait3A_99 : memref<1x64xi32, #tpu.memory_space<vmem>> -> memref<64xi32, #tpu.memory_space<vmem>>
    %dma_wait3A_101 = arith.constant 0 : i32
    %dma_wait3A_102 = arith.constant 0 : i32
    %dma_wait3A_103 = tpu.memref_slice %arg2[%dma_wait3A_101, %dma_wait3A_102] : memref<32768x768xf32, #tpu.memory_space<hbm>> -> memref<32768x768xf32, #tpu.memory_space<hbm>>
    tpu.wait_indirect_dma semaphore(%arg14 : memref<!tpu.dma_semaphore, #tpu.memory_space<semaphore_mem>>) src(%dma_wait3A_103 : memref<32768x768xf32, #tpu.memory_space<hbm>>) dst(%arg10 : memref<64x768xf32, #tpu.memory_space<vmem>>)
    %mul3A_104 = arith.constant 4 : i32
    %mul3A_105 = arith.muli %add3A, %mul3A_104 : i32
    %add3A_106 = arith.constant 2 : i32
    %add3A_107 = arith.addi %mul3A_105, %add3A_106 : i32
    %mul3A_108 = arith.constant 64 : i32
    %mul3A_109 = arith.muli %add3A_107, %mul3A_108 : i32
    %dma_start3A_110 = arith.constant 0 : i32
    %dma_start3A_111 = tpu.memref_slice %arg6[%mul3A_109, %dma_start3A_110] : memref<8192x768xf32, #tpu.memory_space<hbm>> -> memref<64x768xf32, #tpu.memory_space<hbm>>
    %dma_start3A_112 = arith.constant 0 : i32
    %dma_start3A_113 = tpu.memref_slice %arg6[%mul3A_109, %dma_start3A_112] : memref<8192x768xf32, #tpu.memory_space<hbm>> -> memref<64x768xf32, #tpu.memory_space<hbm>>
    tpu.enqueue_dma source(%arg10 : memref<64x768xf32, #tpu.memory_space<vmem>>) target(%dma_start3A_113 : memref<64x768xf32, #tpu.memory_space<hbm>>) target_semaphore(%arg16 : memref<!tpu.dma_semaphore, #tpu.memory_space<semaphore_mem>>)
    %dma_wait3A_114 = arith.constant 3 : i32
    %dma_wait3A_115 = arith.constant 0 : i32
    %dma_wait3A_116 = arith.constant 0 : i32
    %dma_wait3A_117 = tpu.memref_slice %arg9[%add3A, %dma_wait3A_115, %dma_wait3A_116] : memref<32x4x64xi32, #tpu.memory_space<vmem>> -> memref<1x4x64xi32, #tpu.memory_space<vmem>>
    %dma_wait3A_118 = tpu.memref_squeeze %dma_wait3A_117 : memref<1x4x64xi32, #tpu.memory_space<vmem>> -> memref<4x64xi32, #tpu.memory_space<vmem>>
    %dma_wait3A_119 = arith.constant 0 : i32
    %dma_wait3A_120 = tpu.memref_slice %dma_wait3A_118[%dma_wait3A_114, %dma_wait3A_119] : memref<4x64xi32, #tpu.memory_space<vmem>> -> memref<1x64xi32, #tpu.memory_space<vmem>>
    %dma_wait3A_121 = tpu.memref_squeeze %dma_wait3A_120 : memref<1x64xi32, #tpu.memory_space<vmem>> -> memref<64xi32, #tpu.memory_space<vmem>>
    %dma_wait3A_122 = arith.constant 0 : i32
    %dma_wait3A_123 = arith.constant 0 : i32
    %dma_wait3A_124 = tpu.memref_slice %arg2[%dma_wait3A_122, %dma_wait3A_123] : memref<32768x768xf32, #tpu.memory_space<hbm>> -> memref<32768x768xf32, #tpu.memory_space<hbm>>
    tpu.wait_indirect_dma semaphore(%arg15 : memref<!tpu.dma_semaphore, #tpu.memory_space<semaphore_mem>>) src(%dma_wait3A_124 : memref<32768x768xf32, #tpu.memory_space<hbm>>) dst(%arg11 : memref<64x768xf32, #tpu.memory_space<vmem>>)
    %mul3A_125 = arith.constant 4 : i32
    %mul3A_126 = arith.muli %add3A, %mul3A_125 : i32
    %add3A_127 = arith.constant 3 : i32
    %add3A_128 = arith.addi %mul3A_126, %add3A_127 : i32
    %mul3A_129 = arith.constant 64 : i32
    %mul3A_130 = arith.muli %add3A_128, %mul3A_129 : i32
    %dma_start3A_131 = arith.constant 0 : i32
    %dma_start3A_132 = tpu.memref_slice %arg6[%mul3A_130, %dma_start3A_131] : memref<8192x768xf32, #tpu.memory_space<hbm>> -> memref<64x768xf32, #tpu.memory_space<hbm>>
    %dma_start3A_133 = arith.constant 0 : i32
    %dma_start3A_134 = tpu.memref_slice %arg6[%mul3A_130, %dma_start3A_133] : memref<8192x768xf32, #tpu.memory_space<hbm>> -> memref<64x768xf32, #tpu.memory_space<hbm>>
    tpu.enqueue_dma source(%arg11 : memref<64x768xf32, #tpu.memory_space<vmem>>) target(%dma_start3A_134 : memref<64x768xf32, #tpu.memory_space<hbm>>) target_semaphore(%arg17 : memref<!tpu.dma_semaphore, #tpu.memory_space<semaphore_mem>>)
    %lt3A = arith.constant 16 : i32
    %lt3A_135 = arith.cmpi slt, %add3A, %lt3A : i32
    %convert_element_type3A = arith.extui %lt3A_135 : i1 to i32
    %cond3A = arith.constant 0 : i32
    %cond3A_136 = arith.cmpi ne, %convert_element_type3A, %cond3A : i32
    scf.if %cond3A_136 {
      "tpu.region"() ({
        %run_scoped3A = tpu.sem_alloc : memref<!tpu.dma_semaphore, #tpu.memory_space<semaphore_mem>>
        %dma_start3A_151 = arith.constant 0 : i32
        %dma_start3A_152 = tpu.memref_slice %arg4[%add3A, %dma_start3A_151] : memref<16x2048xf32, #tpu.memory_space<hbm>> -> memref<1x2048xf32, #tpu.memory_space<hbm>>
        %dma_start3A_153 = tpu.memref_squeeze %dma_start3A_152 : memref<1x2048xf32, #tpu.memory_space<hbm>> -> memref<2048xf32, #tpu.memory_space<hbm>>
        %dma_start3A_154 = arith.constant 0 : i32
        %dma_start3A_155 = tpu.memref_slice %arg4[%add3A, %dma_start3A_154] : memref<16x2048xf32, #tpu.memory_space<hbm>> -> memref<1x2048xf32, #tpu.memory_space<hbm>>
        %dma_start3A_156 = tpu.memref_squeeze %dma_start3A_155 : memref<1x2048xf32, #tpu.memory_space<hbm>> -> memref<2048xf32, #tpu.memory_space<hbm>>
        tpu.enqueue_dma source(%dma_start3A_156 : memref<2048xf32, #tpu.memory_space<hbm>>) target(%arg12 : memref<2048xf32, #tpu.memory_space<vmem>>) target_semaphore(%run_scoped3A : memref<!tpu.dma_semaphore, #tpu.memory_space<semaphore_mem>>)
        %dma_wait3A_157 = arith.constant 0 : i32
        %dma_wait3A_158 = tpu.memref_slice %arg4[%add3A, %dma_wait3A_157] : memref<16x2048xf32, #tpu.memory_space<hbm>> -> memref<1x2048xf32, #tpu.memory_space<hbm>>
        %dma_wait3A_159 = tpu.memref_squeeze %dma_wait3A_158 : memref<1x2048xf32, #tpu.memory_space<hbm>> -> memref<2048xf32, #tpu.memory_space<hbm>>
        %dma_wait3A_160 = arith.constant 0 : i32
        %dma_wait3A_161 = tpu.memref_slice %arg4[%add3A, %dma_wait3A_160] : memref<16x2048xf32, #tpu.memory_space<hbm>> -> memref<1x2048xf32, #tpu.memory_space<hbm>>
        %dma_wait3A_162 = tpu.memref_squeeze %dma_wait3A_161 : memref<1x2048xf32, #tpu.memory_space<hbm>> -> memref<2048xf32, #tpu.memory_space<hbm>>
        tpu.wait_dma2 semaphore(%run_scoped3A : memref<!tpu.dma_semaphore, #tpu.memory_space<semaphore_mem>>) src(%dma_wait3A_162 : memref<2048xf32, #tpu.memory_space<hbm>>) dst(%arg12 : memref<2048xf32, #tpu.memory_space<vmem>>)
        tpu.yield
      }) : () -> ()
      "tpu.region"() ({
        %run_scoped3A = tpu.sem_alloc : memref<!tpu.dma_semaphore, #tpu.memory_space<semaphore_mem>>
        %dma_start3A_151 = arith.constant 0 : i32
        %dma_start3A_152 = tpu.memref_slice %arg7[%add3A, %dma_start3A_151] : memref<16x2048xf32, #tpu.memory_space<hbm>> -> memref<1x2048xf32, #tpu.memory_space<hbm>>
        %dma_start3A_153 = tpu.memref_squeeze %dma_start3A_152 : memref<1x2048xf32, #tpu.memory_space<hbm>> -> memref<2048xf32, #tpu.memory_space<hbm>>
        %dma_start3A_154 = arith.constant 0 : i32
        %dma_start3A_155 = tpu.memref_slice %arg7[%add3A, %dma_start3A_154] : memref<16x2048xf32, #tpu.memory_space<hbm>> -> memref<1x2048xf32, #tpu.memory_space<hbm>>
        %dma_start3A_156 = tpu.memref_squeeze %dma_start3A_155 : memref<1x2048xf32, #tpu.memory_space<hbm>> -> memref<2048xf32, #tpu.memory_space<hbm>>
        tpu.enqueue_dma source(%arg12 : memref<2048xf32, #tpu.memory_space<vmem>>) target(%dma_start3A_156 : memref<2048xf32, #tpu.memory_space<hbm>>) target_semaphore(%run_scoped3A : memref<!tpu.dma_semaphore, #tpu.memory_space<semaphore_mem>>)
        %dma_wait3A_157 = arith.constant 0 : i32
        %dma_wait3A_158 = tpu.memref_slice %arg7[%add3A, %dma_wait3A_157] : memref<16x2048xf32, #tpu.memory_space<hbm>> -> memref<1x2048xf32, #tpu.memory_space<hbm>>
        %dma_wait3A_159 = tpu.memref_squeeze %dma_wait3A_158 : memref<1x2048xf32, #tpu.memory_space<hbm>> -> memref<2048xf32, #tpu.memory_space<hbm>>
        %dma_wait3A_160 = arith.constant 0 : i32
        %dma_wait3A_161 = tpu.memref_slice %arg7[%add3A, %dma_wait3A_160] : memref<16x2048xf32, #tpu.memory_space<hbm>> -> memref<1x2048xf32, #tpu.memory_space<hbm>>
        %dma_wait3A_162 = tpu.memref_squeeze %dma_wait3A_161 : memref<1x2048xf32, #tpu.memory_space<hbm>> -> memref<2048xf32, #tpu.memory_space<hbm>>
        tpu.wait_dma2 semaphore(%run_scoped3A : memref<!tpu.dma_semaphore, #tpu.memory_space<semaphore_mem>>) src(%arg12 : memref<2048xf32, #tpu.memory_space<vmem>>) dst(%dma_wait3A_162 : memref<2048xf32, #tpu.memory_space<hbm>>)
        tpu.yield
      }) : () -> ()
    } else {
    }
    %ge3A = arith.constant 16 : i32
    %ge3A_137 = arith.cmpi sge, %add3A, %ge3A : i32
    %lt3A_138 = arith.constant 32 : i32
    %lt3A_139 = arith.cmpi slt, %add3A, %lt3A_138 : i32
    %and3A = arith.andi %ge3A_137, %lt3A_139 : i1
    %convert_element_type3A_140 = arith.extui %and3A : i1 to i32
    %cond3A_141 = arith.constant 0 : i32
    %cond3A_142 = arith.cmpi ne, %convert_element_type3A_140, %cond3A_141 : i32
    scf.if %cond3A_142 {
      %sub3A = arith.constant 16 : i32
      %sub3A_151 = arith.subi %add3A, %sub3A : i32
      "tpu.region"() ({
        %run_scoped3A = tpu.sem_alloc : memref<!tpu.dma_semaphore, #tpu.memory_space<semaphore_mem>>
        %dma_start3A_154 = arith.constant 0 : i32
        %dma_start3A_155 = tpu.memref_slice %arg5[%sub3A_151, %dma_start3A_154] : memref<16x2048xi32, #tpu.memory_space<hbm>> -> memref<1x2048xi32, #tpu.memory_space<hbm>>
        %dma_start3A_156 = tpu.memref_squeeze %dma_start3A_155 : memref<1x2048xi32, #tpu.memory_space<hbm>> -> memref<2048xi32, #tpu.memory_space<hbm>>
        %dma_start3A_157 = arith.constant 0 : i32
        %dma_start3A_158 = tpu.memref_slice %arg5[%sub3A_151, %dma_start3A_157] : memref<16x2048xi32, #tpu.memory_space<hbm>> -> memref<1x2048xi32, #tpu.memory_space<hbm>>
        %dma_start3A_159 = tpu.memref_squeeze %dma_start3A_158 : memref<1x2048xi32, #tpu.memory_space<hbm>> -> memref<2048xi32, #tpu.memory_space<hbm>>
        tpu.enqueue_dma source(%dma_start3A_159 : memref<2048xi32, #tpu.memory_space<hbm>>) target(%arg13 : memref<2048xi32, #tpu.memory_space<vmem>>) target_semaphore(%run_scoped3A : memref<!tpu.dma_semaphore, #tpu.memory_space<semaphore_mem>>)
        %dma_wait3A_160 = arith.constant 0 : i32
        %dma_wait3A_161 = tpu.memref_slice %arg5[%sub3A_151, %dma_wait3A_160] : memref<16x2048xi32, #tpu.memory_space<hbm>> -> memref<1x2048xi32, #tpu.memory_space<hbm>>
        %dma_wait3A_162 = tpu.memref_squeeze %dma_wait3A_161 : memref<1x2048xi32, #tpu.memory_space<hbm>> -> memref<2048xi32, #tpu.memory_space<hbm>>
        %dma_wait3A_163 = arith.constant 0 : i32
        %dma_wait3A_164 = tpu.memref_slice %arg5[%sub3A_151, %dma_wait3A_163] : memref<16x2048xi32, #tpu.memory_space<hbm>> -> memref<1x2048xi32, #tpu.memory_space<hbm>>
        %dma_wait3A_165 = tpu.memref_squeeze %dma_wait3A_164 : memref<1x2048xi32, #tpu.memory_space<hbm>> -> memref<2048xi32, #tpu.memory_space<hbm>>
        tpu.wait_dma2 semaphore(%run_scoped3A : memref<!tpu.dma_semaphore, #tpu.memory_space<semaphore_mem>>) src(%dma_wait3A_165 : memref<2048xi32, #tpu.memory_space<hbm>>) dst(%arg13 : memref<2048xi32, #tpu.memory_space<vmem>>)
        tpu.yield
      }) : () -> ()
      %sub3A_152 = arith.constant 16 : i32
      %sub3A_153 = arith.subi %add3A, %sub3A_152 : i32
      "tpu.region"() ({
        %run_scoped3A = tpu.sem_alloc : memref<!tpu.dma_semaphore, #tpu.memory_space<semaphore_mem>>
        %dma_start3A_154 = arith.constant 0 : i32
        %dma_start3A_155 = tpu.memref_slice %arg8[%sub3A_153, %dma_start3A_154] : memref<16x2048xi32, #tpu.memory_space<hbm>> -> memref<1x2048xi32, #tpu.memory_space<hbm>>
        %dma_start3A_156 = tpu.memref_squeeze %dma_start3A_155 : memref<1x2048xi32, #tpu.memory_space<hbm>> -> memref<2048xi32, #tpu.memory_space<hbm>>
        %dma_start3A_157 = arith.constant 0 : i32
        %dma_start3A_158 = tpu.memref_slice %arg8[%sub3A_153, %dma_start3A_157] : memref<16x2048xi32, #tpu.memory_space<hbm>> -> memref<1x2048xi32, #tpu.memory_space<hbm>>
        %dma_start3A_159 = tpu.memref_squeeze %dma_start3A_158 : memref<1x2048xi32, #tpu.memory_space<hbm>> -> memref<2048xi32, #tpu.memory_space<hbm>>
        tpu.enqueue_dma source(%arg13 : memref<2048xi32, #tpu.memory_space<vmem>>) target(%dma_start3A_159 : memref<2048xi32, #tpu.memory_space<hbm>>) target_semaphore(%run_scoped3A : memref<!tpu.dma_semaphore, #tpu.memory_space<semaphore_mem>>)
        %dma_wait3A_160 = arith.constant 0 : i32
        %dma_wait3A_161 = tpu.memref_slice %arg8[%sub3A_153, %dma_wait3A_160] : memref<16x2048xi32, #tpu.memory_space<hbm>> -> memref<1x2048xi32, #tpu.memory_space<hbm>>
        %dma_wait3A_162 = tpu.memref_squeeze %dma_wait3A_161 : memref<1x2048xi32, #tpu.memory_space<hbm>> -> memref<2048xi32, #tpu.memory_space<hbm>>
        %dma_wait3A_163 = arith.constant 0 : i32
        %dma_wait3A_164 = tpu.memref_slice %arg8[%sub3A_153, %dma_wait3A_163] : memref<16x2048xi32, #tpu.memory_space<hbm>> -> memref<1x2048xi32, #tpu.memory_space<hbm>>
        %dma_wait3A_165 = tpu.memref_squeeze %dma_wait3A_164 : memref<1x2048xi32, #tpu.memory_space<hbm>> -> memref<2048xi32, #tpu.memory_space<hbm>>
        tpu.wait_dma2 semaphore(%run_scoped3A : memref<!tpu.dma_semaphore, #tpu.memory_space<semaphore_mem>>) src(%arg13 : memref<2048xi32, #tpu.memory_space<vmem>>) dst(%dma_wait3A_165 : memref<2048xi32, #tpu.memory_space<hbm>>)
        tpu.yield
      }) : () -> ()
    } else {
    }
    %dma_wait3A_143 = arith.constant 0 : i32
    %dma_wait3A_144 = tpu.memref_slice %arg6[%mul3A_109, %dma_wait3A_143] : memref<8192x768xf32, #tpu.memory_space<hbm>> -> memref<64x768xf32, #tpu.memory_space<hbm>>
    %dma_wait3A_145 = arith.constant 0 : i32
    %dma_wait3A_146 = tpu.memref_slice %arg6[%mul3A_109, %dma_wait3A_145] : memref<8192x768xf32, #tpu.memory_space<hbm>> -> memref<64x768xf32, #tpu.memory_space<hbm>>
    tpu.wait_dma2 semaphore(%arg16 : memref<!tpu.dma_semaphore, #tpu.memory_space<semaphore_mem>>) src(%arg10 : memref<64x768xf32, #tpu.memory_space<vmem>>) dst(%dma_wait3A_146 : memref<64x768xf32, #tpu.memory_space<hbm>>)
    %dma_wait3A_147 = arith.constant 0 : i32
    %dma_wait3A_148 = tpu.memref_slice %arg6[%mul3A_130, %dma_wait3A_147] : memref<8192x768xf32, #tpu.memory_space<hbm>> -> memref<64x768xf32, #tpu.memory_space<hbm>>
    %dma_wait3A_149 = arith.constant 0 : i32
    %dma_wait3A_150 = tpu.memref_slice %arg6[%mul3A_130, %dma_wait3A_149] : memref<8192x768xf32, #tpu.memory_space<hbm>> -> memref<64x768xf32, #tpu.memory_space<hbm>>
    tpu.wait_dma2 semaphore(%arg17 : memref<!tpu.dma_semaphore, #tpu.memory_space<semaphore_mem>>) src(%arg11 : memref<64x768xf32, #tpu.memory_space<vmem>>) dst(%dma_wait3A_150 : memref<64x768xf32, #tpu.memory_space<hbm>>)
    return
  }
}

</mosaic_0001>

<sc_bundles>
// kernel: kernel.3.cloned.1.call-start
scs
__scs_entry_jumppad:
0x0: {  	(pc) =	sbr.rel $0x88, $3  }
0x1: {  	(tag) =	ssettag $0x0;
	lr =	simm.s32 $0x1  }
0x2: {  	[smem:$0x3FA0] =	sst lr;
	_ =	strace $0xD0000000  }
0x3: {  	_ = 	snop  }
0x4: {  	_ = 	snop  }
0x5: {  	_ = 	snop  }
0x6: {  	_ = 	snop  }
0x7: {  	_ = 	snop  }
__scs_overlays_trampoline_lowered:
0x8: {  	[smem:$0x3FAF] =	sst s0  }
0x9: {  	[smem:$0x3FB0] =	sst s1  }
0xa: {  	[smem:$0x3FB1] =	sst s2  }
0xb: {  	[smem:$0x3FB2] =	sst s3  }
0xc: {  	[smem:$0x3FB3] =	sst s4  }
0xd: {  	[smem:$0x3FB4] =	sst s5  }
0xe: {  	[smem:$0x3FB5] =	sst s6  }
0xf: {  	[smem:$0x3FB6] =	sst s7  }
0x10: {  	[smem:$0x3FB7] =	sst s8  }
0x11: {  	[smem:$0x3FB8] =	sst s9;
	s0 =	simm.s32 @!p0 $0x0  }
0x12: {  	s1 =	sld [smem:$0x3F9E];
	s0 =	simm.s32 @p0 $0x1  }
0x13: {  	[smem:$0x3FB9] =	sst s0;
	s0 =	simm.s32 @!p1 $0x0  }
0x14: {  	s2 =	sld [smem:$0x3F9D];
	s0 =	simm.s32 @p1 $0x1  }
0x15: {  	[smem:$0x3FBA] =	sst s0;
	s0 =	simm.s32 @!p2 $0x0  }
0x16: {  	s3 =	sld [smem:$0x3FDB];
	s0 =	simm.s32 @p2 $0x1  }
0x17: {  	s4 =	simm.s32 $0x1BF5;
	[smem:$0x3FBC] =	sst s0  }
0x18: {  	s0 =	sld [smem:$0x3F9F];
	_ =	swait.ge [sflag:s4], $0x0  }
0x19: {  	s7 =	sld [smem:$0x3FA0]  }
0x1a: {  	s8 =	sadd.s32 $0xFFFFE003, lr  }
0x1b: {  	s9 =	sadd.s32 $0xFFFFFEF7, lr;
	s5 =	simm.s32 $0xFFFFFFFF;
	p2 =	slt.u32 s8, $0xFFFFF086  }
0x1c: {  	p1 =	slt.u32 s9, $0xF7A;
	s5 =	simm.s32 @!p2 $0x0  }
0x1d: {  	s5 =	simm.s32 @p1 $0x1;
	p0 =	seq.s32 s7, s2  }
0x1e: {  	s7 =	smul.u32 @!p0 $0xF7A, s2;
	p2 =	seq.s32 @!p0 s5, $0x0  }
0x1f: {  	s9 =	smul.u32 $0xF7A, s1;
	s8 =	simm.s32 @!p0 $0x1BF5;
	p2 =	por !p2, p0  }
0x20: {  	[sflag:s8] =	ssyncset.s32 @!p0 $0xFFFFF086;
	s6 =	sadd.s32 @!p0 s3, s7;
	s7 =	simm.s32 @!p0 $0x108  }
0x21: {  	s3 =	sadd.s32 s3, s9;
	s6 =	sadd.s32 @!p0 $0x88, s6;
	s7 =	simm.s32 @p2 $0x1082  }
0x22: {  	[simem:s7], [sflag:s8] =	dma.local @!p0 [hbm:s6], $0xF7A  }
0x23: {  	s9 =	sor.u32 $0xD0000000, s2;
	s6 =	simm.s32 $0x108;
	_ =	swait.ge @!p0 [sflag:s8], $0x0  }
0x24: {  	s3 =	sadd.s32 $0x88, s3;
	s6 =	simm.s32 @!p1 $0x1082;
	[sflag:s4] =	ssyncset.s32 $0xFFFFF086  }
0x25: {  	[simem:s6], [sflag:s4] =	dma.local [hbm:s3], $0xF7A  }
0x26: {  	[smem:$0x3FA0] =	sst s1;
	(tag) =	ssettag s2;
	_ =	strace s9  }
0x27: {  	s1 =	sld [smem:$0x3FB0]  }
0x28: {  	s2 =	sld [smem:$0x3FB1]  }
0x29: {  	s4 =	sld [smem:$0x3FB3]  }
0x2a: {  	p0 =	seq.s32 s5, $0x0;
	s5 =	sld [smem:$0x3FB4]  }
0x2b: {  	s6 =	sld [smem:$0x3FB5]  }
0x2c: {  	s7 =	sld [smem:$0x3FB6]  }
0x2d: {  	s3 =	simm.s32 $0x108;
	s8 =	sld [smem:$0x3FB7]  }
0x2e: {  	s3 =	simm.s32 @!p0 $0x1082;
	s9 =	sld [smem:$0x3FB8]  }
0x2f: {  	lr =	sadd.s32 s0, s3;
	s0 =	sld [smem:$0x3FAF]  }
0x30: {  	s3 =	sld [smem:$0x3FB2]  }
0x31: {  	[smem:$0x3FBB] =	sst s10  }
0x32: {  	s10 =	sld [smem:$0x3FB9];
	_ =	sdelay $0x3  }
0x33: {  	p0 =	seq.s32 s10, $0x1;
	s10 =	sld [smem:$0x3FBB];
	_ =	sdelay $0x3  }
0x34: {  	[smem:$0x3FBB] =	sst s10  }
0x35: {  	s10 =	sld [smem:$0x3FBA];
	_ =	sdelay $0x3  }
0x36: {  	p1 =	seq.s32 s10, $0x1;
	s10 =	sld [smem:$0x3FBB];
	_ =	sdelay $0x3  }
0x37: {  	[smem:$0x3FBB] =	sst s10  }
0x38: {  	s10 =	sld [smem:$0x3FBC]  }
0x39: {  	_ = 	snop;
	(pc) =	sbr.ind lr, $3  }
0x3a: {  	_ = 	snop  }
0x3b: {  	_ = 	snop  }
0x3c: {  	p2 =	seq.s32 s10, $0x1;
	s10 =	sld [smem:$0x3FBB]  }
0x3d: {  	_ =	shalt  }
0x3e: {  	_ =	shalt  }
0x3f: {  	_ =	shalt  }
0x40: {  	_ =	shalt  }
0x41: {  	_ =	shalt  }
0x42: {  	_ =	shalt  }
0x43: {  	_ =	shalt  }
0x44: {  	_ =	shalt  }
0x45: {  	_ =	shalt  }
0x46: {  	_ =	shalt  }
0x47: {  	_ =	shalt  }
0x48: {  	_ =	shalt  }
0x49: {  	_ =	shalt  }
0x4a: {  	_ =	shalt  }
0x4b: {  	_ =	shalt  }
0x4c: {  	_ =	shalt  }
0x4d: {  	_ =	shalt  }
0x4e: {  	_ =	shalt  }
0x4f: {  	_ =	shalt  }
0x50: {  	_ =	shalt  }
0x51: {  	_ =	shalt  }
0x52: {  	_ =	shalt  }
0x53: {  	_ =	shalt  }
0x54: {  	_ =	shalt  }
0x55: {  	_ =	shalt  }
0x56: {  	_ =	shalt  }
0x57: {  	_ =	shalt  }
0x58: {  	_ =	shalt  }
0x59: {  	_ =	shalt  }
0x5a: {  	_ =	shalt  }
0x5b: {  	_ =	shalt  }
0x5c: {  	_ =	shalt  }
0x5d: {  	_ =	shalt  }
0x5e: {  	_ =	shalt  }
0x5f: {  	_ =	shalt  }
0x60: {  	_ =	shalt  }
0x61: {  	_ =	shalt  }
0x62: {  	_ =	shalt  }
0x63: {  	_ =	shalt  }
0x64: {  	_ =	shalt  }
0x65: {  	_ =	shalt  }
0x66: {  	_ =	shalt  }
0x67: {  	_ =	shalt  }
0x68: {  	_ =	shalt  }
0x69: {  	_ =	shalt  }
0x6a: {  	_ =	shalt  }
0x6b: {  	_ =	shalt  }
0x6c: {  	_ =	shalt  }
0x6d: {  	_ =	shalt  }
0x6e: {  	_ =	shalt  }
0x6f: {  	_ =	shalt  }
0x70: {  	_ =	shalt  }
0x71: {  	_ =	shalt  }
0x72: {  	_ =	shalt  }
0x73: {  	_ =	shalt  }
0x74: {  	_ =	shalt  }
0x75: {  	_ =	shalt  }
0x76: {  	_ =	shalt  }
0x77: {  	_ =	shalt  }
0x78: {  	_ =	shalt  }
0x79: {  	_ =	shalt  }
0x7a: {  	_ =	shalt  }
0x7b: {  	_ =	shalt  }
0x7c: {  	_ =	shalt  }
0x7d: {  	_ =	shalt  }
0x7e: {  	_ =	shalt  }
0x7f: {  	_ =	shalt  }
0x80: {  	_ =	shalt  }
0x81: {  	_ =	shalt  }
0x82: {  	_ =	shalt  }
0x83: {  	_ =	shalt  }
0x84: {  	_ =	shalt  }
0x85: {  	_ =	shalt  }
0x86: {  	_ =	shalt  }
0x87: {  	_ =	shalt  }
.Lfunc_end0:
.L_simem_size_0:
called_computation_lowered:
.L_overlay_start_0:
0x88: {  	s2 =	sld [smem:$0x3FD9]  }
0x89: {  	s3 =	sld [smem:$0x3FFE];
	_ =	sdelay $0x1  }
0x8a: {  	s1 =	srdreg.scid  }
0x8b: {  	s0 =	sand.u32 $0x1, s1  }
0x8c: {  	s14 =	sshll.u32 s0, $0xA;
	s2 =	sadd.s32 s3, s2  }
0x8d: {  	s2 =	sadd.s32 s2, s14  }
0x8e: {  	[smem:$0x3FC7] =	sst s2  }
0x8f: {  	_ = 	snop  }
0x90: {  	s2 =	sld [smem:$0x3FD0];
	_ =	sdelay $0x2  }
0x91: {  	s4 =	simm.s32 $0xA;
	s5 =	simm.s32 $0x10;
	s15 =	sld [smem:$0x3FC9]  }
0x92: {  	[smem:s5], [sflag:s4] =	dma.local [hbm:s2], $0x1  }
0x93: {  	_ =	swait.eq [sflag:s4], $0x1  }
0x94: {  	s16 =	sld [smem:$0x10];
	[sflag:s4] =	ssyncset.done $0x0  }
0x95: {  	s17 =	sld [smem:$0x11];
	[sflag:s4] =	ssyncadd.s32 $0xFFFFFFFF  }
0x96: {  	s18 =	sld [smem:$0x12];
	(tm) =	ssettm $0x1  }
0x97: {  	s6 =	sld [smem:$0x3FFB];
	_ =	sdelay $0x3  }
0x98: {  	_ =	strace s6  }
0x99: {  	s6 =	sld [smem:$0x3FFC];
	_ =	sdelay $0x3  }
0x9a: {  	_ =	strace s6  }
0x9b: {  	s6 =	sld [smem:$0x3FFD];
	_ =	sdelay $0x3  }
0x9c: {  	_ =	strace s6  }
0x9d: {  	_ =	strace $0x8FFFFFFF  }
0x9e: {  	s19 =	sld [smem:$0x3FDB];
	_ =	sdelay $0x1  }
0x9f: {  	s7 =	simm.s32 $_scs_section_size  }
0xa0: {  	s8 =	simm.s32 $_size__tile_overlayer_lowered;
	s9 =	simm.s32 $_tile_overlayer_lowered  }
0xa1: {  	s22 =	simm.s32 $0x1BFF;
	s21 =	sshll.u32 s9, $0x1;
	s6 =	sadd.s32 s7, s19  }
0xa2: {  	s10 =	simm.s32 $0x0;
	s20 =	sshll.u32 s8, $0x1;
	s8 =	sadd.s32 s21, s6  }
0xa3: {  	[timem:s10], [sflag:s22] =	dma.local [hbm:s8], s20  }
0xa4: {  	_ =	swait.ge [sflag:s22], s20  }
0xa5: {  	s7 =	ssub.s32 $0x0, s20;
	[sflag:s22] =	ssyncset.done $0x0  }
0xa6: {  	[sflag:s22] =	ssyncadd.s32 s7;
	_ =	sdelay $0x1  }
0xa7: {  	s23 =	simm.s32 $0x1B8B  }
0xa8: {  	_ =	swait.ge [sflag:s23], $0x1  }
0xa9: {  	[sflag:s23] =	ssyncset.done $0x0  }
0xaa: {  	s25 =	simm.s32 $0x1B8E;
	s24 =	sld [smem:$0x3FFE];
	[sflag:s23] =	ssyncadd.s32 $0xFFFFFFFF  }
0xab: {  	s26 =	simm.s32 $execute0_lowered;
	[smem:$0x3FD2] =	sst s25  }
0xac: {  	s8 =	sshll.u32 s26, $0x1;
	_ =	strace $0x80000046;
	[dreg:$0x1] =	wrdreg $0xFFFFFFFF  }
0xad: {  	s28 =	simm.s32 $_size_execute0_lowered;
	s6 =	sadd.s32 s6, s8;
	[dreg:$0x0] =	wrdreg $0x0  }
0xae: {  	s8 =	sshll.u32 s28, $0x1;
	[dreg:$0x2] =	wrdreg s6  }
0xaf: {  	[dreg:$0x3] =	wrdreg s8  }
0xb0: {  	[dreg:$0x4] =	wrdreg $0xC0  }
0xb1: {  	_ =	task [dreg:s10], $0x5FFFF  }
0xb2: {  	[dreg:$0x1] =	wrdreg $0xFFFFFFFF  }
0xb3: {  	[dreg:$0x0] =	wrdreg $0x60  }
0xb4: {  	[dreg:$0x2] =	wrdreg s15  }
0xb5: {  	[dreg:$0x3] =	wrdreg s24  }
0xb6: {  	[dreg:$0x4] =	wrdreg s16  }
0xb7: {  	[dreg:$0x5] =	wrdreg s17  }
0xb8: {  	[dreg:$0x6] =	wrdreg s18  }
0xb9: {  	[dreg:$0x7] =	wrdreg $0x9  }
0xba: {  	_ =	task.clear_ibuf [dreg:s10], $0x8FFFF;
	_ =	strace $0x90000046  }
0xbb: {  	s29 =	simm.s32 $0x9;
	_ =	strace $0x80000048  }
0xbc: {  	_ =	swait.ge [sflag:s29], $0x1  }
0xbd: {  	[sflag:s29] =	ssyncadd.s32 $0xFFFFFFFF  }
0xbe: {  	_ =	strace $0x90000048  }
0xbf: {  	_ =	sfence  }
0xc0: {  	s30 =	sld [smem:$0x0];
	_ =	sdelay $0x2  }
0xc1: {  	s31 =	sshll.u32 s1, $0xD;
	s1 =	sshrl.u32 s1, $0x2  }
0xc2: {  	s3 =	sand.u32 $0x4000, s31;
	s1 =	sadd.s32 s1, s30  }
0xc3: {  	s0 =	sor.u32 s3, s0;
	s1 =	sshll.u32 s1, $0x11  }
0xc4: {  	s0 =	sor.u32 s1, s0  }
0xc5: {  	s0 =	sadd.s32 $0x8F2B, s0  }
0xc6: {  	[sflag:s0] =	ssyncadd.remote.s32 $0x1  }
0xc7: {  	_ =	sfence.sel $0xFFFF  }
0xc8: {  	[dreg:$0x0] =	wrdreg $0xFFFFFFFF;
	(pc) =	sbr.abs _section_cstart, $3  }
0xc9: {  	[dreg:$0x1] =	wrdreg $0xFFFFFFFF  }
0xca: {  	_ =	task.clear_ibuf [dreg:s10], $0x2FFFF;
	_ =	strace $0x9FFFFFFF  }
0xcb: {  	(tm) =	ssettm $0x7FFFFFFF  }
tec
execute0_lowered:
.L_overlay_start_1:
0x0: {  	(tag) =	ssettag $0x1  }
0x1: {  	s0 =	rddreg [dreg:$0x0]  }
0x2: {  	s1 =	rddreg [dreg:$0x1]  }
0x3: {  	s2 =	rddreg [dreg:$0x2]  }
0x4: {  	s4 =	rddreg [dreg:$0x3];
	s3 =	srdreg.scid  }
0x5: {  	s15 =	stileid.u32;
	s8 =	rddreg [dreg:$0x4];
	s28 =	simm.s32 $0x6800  }
0x6: {  	s29 =	simm.s32 $0x7000;
	s30 =	simm.s32 $0x7800;
	s31 =	simm.s32 $0x8000  }
0x7: {  	s20 =	simm.s32 $0xB800;
	s21 =	simm.s32 $0xC000;
	s16 =	simm.s32 $0xE000  }
0x8: {  	s17 =	simm.s32 $0xE800;
	s18 =	simm.s32 $0xF000;
	s19 =	simm.s32 $0xF800  }
0x9: {  	s5 =	sand.u32 $0x1, s3;
	s22 =	sshll.u32 s15, $0x1;
	s3 =	simm.s32 $0x0  }
0xa: {  	s11 =	sshll.u32 s15, $0x9;
	p0 =	slt.u32 s15, $0x8;
	s15 =	simm.s32 $0xB000  }
0xb: {  	s6 =	sor.u32 s5, s22;
	[smem:$0x7FF] =	sst s3;
	s5 =	ssub.s32 $0x2, s5  }
0xc: {  	s7 =	sshll.u32 s6, $0xB;
	s9 =	sshll.u32 s6, $0x7;
	s10 =	sshll.u32 s6, $0x6  }
0xd: {  	_ =	strace $0x80000047;
	s12 =	sshll.u32 s6, $0x4;
	s23 =	smul.u32 $0x6000, s6  }
0xe: {  	s13 =	sshrl.u32 s5, $0x1;
	s6 =	smul.u32 $0x30000, s6;
	s9 =	sor.u32 s9, s7  }
0xf: {  	s10 =	sadd.s32 s10, s1;
	s11 =	sor.u32 s11, s12;
	s13 =	ssub.s32 s5, s13  }
0x10: {  	s5 =	sshrl.u32 s7, $0x2;
	s7 =	sadd.s32 $0x200, s0;
	s12 =	simm.s32 $0x5  }
0x11: {  	s9 =	sand.u32 $0x4380, s9;
	s11 =	sand.u32 $0x870, s11;
	s24 =	sadd.s32 $0x2800, s10  }
0x12: {  	s25 =	sadd.s32 s2, s23;
	s6 =	sshrl.u32 s6, $0x3;
	[dreg:$0x6] =	wrdreg s24  }
0x13: {  	s9 =	sshrl.u32 s9, $0x3;
	[dreg:$0xc] =	wrdreg s25;
	s10 =	sadd.s32 $0x1800, s25  }
0x14: {  	s2 =	sadd.s32 s2, s6;
	s6 =	sadd.s32 $0x100, s0;
	s24 =	simm.s32 $0x5000  }
0x15: {  	s25 =	simm.s32 $0x5800;
	[dreg:$0x7] =	wrdreg s10;
	s26 =	sadd.s32 $0x3000, s2  }
0x16: {  	s14 =	sadd.s32 s9, s1;
	s2 =	sadd.s32 $0x4800, s2;
	[dreg:$0x8] =	wrdreg s26  }
0x17: {  	s1 =	sadd.s32 s11, s1;
	s4 =	sadd.s32 s4, s9;
	[dreg:$0x9] =	wrdreg s2  }
0x18: {  	s1 =	sadd.s32 $0x800, s1;
	s2 =	sadd.s32 s8, s11;
	s10 =	sadd.s32 $0x1800, s14  }
0x19: {  	s8 =	smax.u32 s13, $0x1;
	s26 =	simm.s32 $0x6000;
	s1 =	smov.u32 @p0 s10  }
0x1a: {  	v2 =	vlaneseq.u32;
	s2 =	smov.u32 @p0 s4;
	[dreg:$0xa] =	wrdreg s1;
	s1 =	simm.s32 $0x1C000  }
0x1b: {  	vm0 =	vmmov $0xffff;
	v1 =	vshrl.u32 v2, $0x3;
	s14 =	simm.s32 $0xA800;
	[dreg:$0xb] =	wrdreg s2;
	s1 =	simm.s32 @!p0 $0x1C800  }
0x1c: {  	v0 =	vand.u32 $0x7, v2;
	v2 =	vor.u32 $0x8, v2;
	v1 =	vmul.u32 $0x8, v1;
	s13 =	simm.s32 $0xD000;
	s2 =	simm.s32 $0x3;
	[dreg:$0xd] =	wrdreg s1  }
.LBB2_1:
0x1d: {  	s22 =	rddreg [dreg:$0x6]  }
0x1e: {  	[tilespmem:s5], [sflag:$0x5] =	stream.linear.gather [hbm4b:s22+s3], $0x200, $0x38;
	[tilespmem:$0x1D000] =	vst v63  }
0x1f: {  	_ =	swait.ge [sflag:s12], $0x200  }
0x20: {  	[sflag:s12] =	ssyncset.done $0x0  }
0x21: {  	[sflag:s12] =	ssyncadd.s32 $0xFFFFFE00  }
0x22: {  	v3 =	vld [tilespmem:s5+$0x0];
	_ =	sdelay $0x4  }
0x23: {  	v4 =	vshrl.u32 v3, $0x3  }
0x24: {  	v4 =	vmul.u32 $0x30, v4  }
0x25: {  	v3 =	vand.u32 $0x7, v3  }
0x26: {  	v3 =	vor.u32 v3, v4  }
0x27: {  	v4 =	vperm.xlane v3, v0;
	_ =	sdelay $0x1  }
0x28: {  	v4 =	vadd.s32 v1, v4;
	_ =	sdelay $0x3  }
0x29: {  	s1 =	simm.s32 $0x4000;
	v3 =	vperm.xlane v3, v2  }
0x2a: {  	[tilespmem:s1], [sflag:$0x1] =	stream.indirect_vreg.gather [hbm4b:s0+s3], $0x80, v4, vm0, $0xb8;
	[tilespmem:$0x1D000] =	vst v63  }
0x2b: {  	s23 =	simm.s32 $0x4800;
	v3 =	vadd.s32 v1, v3  }
0x2c: {  	[tilespmem:s23], [sflag:$0x1] =	stream.indirect_vreg.gather [hbm4b:s6+s3], $0x80, v4, vm0, $0xb8;
	[tilespmem:$0x1D000] =	vst v63  }
0x2d: {  	_ = 	snop  }
0x2e: {  	[tilespmem:s24], [sflag:$0x1] =	stream.indirect_vreg.gather [hbm4b:s7+s3], $0x80, v4, vm0, $0xb8;
	[tilespmem:$0x1D000] =	vst v63  }
0x2f: {  	_ = 	snop  }
0x30: {  	[tilespmem:s25], [sflag:$0x1] =	stream.indirect_vreg.gather [hbm4b:s0+s3], $0x80, v3, vm0, $0xb8;
	[tilespmem:$0x1D000] =	vst v63  }
0x31: {  	_ = 	snop  }
0x32: {  	[tilespmem:s26], [sflag:$0x1] =	stream.indirect_vreg.gather [hbm4b:s6+s3], $0x80, v3, vm0, $0xb8;
	[tilespmem:$0x1D000] =	vst v63  }
0x33: {  	_ = 	snop  }
0x34: {  	[tilespmem:s28], [sflag:$0x1] =	stream.indirect_vreg.gather [hbm4b:s7+s3], $0x80, v3, vm0, $0xb8;
	[tilespmem:$0x1D000] =	vst v63  }
0x35: {  	v3 =	vld [tilespmem:s5+$0x10];
	_ =	sdelay $0x4  }
0x36: {  	v49 =	vshrl.u32 v3, $0x3  }
0x37: {  	v4 =	vmul.u32 $0x30, v49  }
0x38: {  	v3 =	vand.u32 $0x7, v3  }
0x39: {  	v3 =	vor.u32 v3, v4  }
0x3a: {  	v4 =	vperm.xlane v3, v0;
	_ =	sdelay $0x1  }
0x3b: {  	v4 =	vadd.s32 v1, v4;
	_ =	sdelay $0x3  }
0x3c: {  	v3 =	vperm.xlane v3, v2  }
0x3d: {  	[tilespmem:s29], [sflag:$0x1] =	stream.indirect_vreg.gather [hbm4b:s0+s3], $0x80, v4, vm0, $0xb8;
	[tilespmem:$0x1D000] =	vst v63  }
0x3e: {  	v3 =	vadd.s32 v1, v3  }
0x3f: {  	[tilespmem:s30], [sflag:$0x1] =	stream.indirect_vreg.gather [hbm4b:s6+s3], $0x80, v4, vm0, $0xb8;
	[tilespmem:$0x1D000] =	vst v63  }
0x40: {  	_ = 	snop  }
0x41: {  	[tilespmem:s31], [sflag:$0x1] =	stream.indirect_vreg.gather [hbm4b:s7+s3], $0x80, v4, vm0, $0xb8;
	[tilespmem:$0x1D000] =	vst v63  }
0x42: {  	s11 =	simm.s32 $0x8800  }
0x43: {  	[tilespmem:s11], [sflag:$0x1] =	stream.indirect_vreg.gather [hbm4b:s0+s3], $0x80, v3, vm0, $0xb8;
	[tilespmem:$0x1D000] =	vst v63  }
0x44: {  	s22 =	simm.s32 $0x9000  }
0x45: {  	[tilespmem:s22], [sflag:$0x1] =	stream.indirect_vreg.gather [hbm4b:s6+s3], $0x80, v3, vm0, $0xb8;
	[tilespmem:$0x1D000] =	vst v63  }
0x46: {  	s4 =	simm.s32 $0x9800  }
0x47: {  	[tilespmem:s4], [sflag:$0x1] =	stream.indirect_vreg.gather [hbm4b:s7+s3], $0x80, v3, vm0, $0xb8;
	[tilespmem:$0x1D000] =	vst v63  }
0x48: {  	v3 =	vld [tilespmem:s5+$0x20];
	_ =	sdelay $0x4  }
0x49: {  	v50 =	vshrl.u32 v3, $0x3  }
0x4a: {  	v4 =	vmul.u32 $0x30, v50  }
0x4b: {  	v3 =	vand.u32 $0x7, v3  }
0x4c: {  	v3 =	vor.u32 v3, v4  }
0x4d: {  	v4 =	vperm.xlane v3, v0;
	_ =	sdelay $0x1  }
0x4e: {  	v4 =	vadd.s32 v1, v4;
	_ =	sdelay $0x3  }
0x4f: {  	s9 =	simm.s32 $0xA000;
	v3 =	vperm.xlane v3, v2  }
0x50: {  	[tilespmem:s9], [sflag:$0x1] =	stream.indirect_vreg.gather [hbm4b:s0+s3], $0x80, v4, vm0, $0xb8;
	[tilespmem:$0x1D000] =	vst v63  }
0x51: {  	v3 =	vadd.s32 v1, v3  }
0x52: {  	[tilespmem:s14], [sflag:$0x1] =	stream.indirect_vreg.gather [hbm4b:s6+s3], $0x80, v4, vm0, $0xb8;
	[tilespmem:$0x1D000] =	vst v63  }
0x53: {  	_ = 	snop  }
0x54: {  	[tilespmem:s15], [sflag:$0x1] =	stream.indirect_vreg.gather [hbm4b:s7+s3], $0x80, v4, vm0, $0xb8;
	[tilespmem:$0x1D000] =	vst v63  }
0x55: {  	_ = 	snop  }
0x56: {  	[tilespmem:s20], [sflag:$0x1] =	stream.indirect_vreg.gather [hbm4b:s0+s3], $0x80, v3, vm0, $0xb8;
	[tilespmem:$0x1D000] =	vst v63  }
0x57: {  	_ = 	snop  }
0x58: {  	[tilespmem:s21], [sflag:$0x1] =	stream.indirect_vreg.gather [hbm4b:s6+s3], $0x80, v3, vm0, $0xb8;
	[tilespmem:$0x1D000] =	vst v63  }
0x59: {  	s11 =	simm.s32 $0xC800  }
0x5a: {  	[tilespmem:s11], [sflag:$0x1] =	stream.indirect_vreg.gather [hbm4b:s7+s3], $0x80, v3, vm0, $0xb8;
	[tilespmem:$0x1D000] =	vst v63  }
0x5b: {  	v3 =	vld [tilespmem:s5+$0x30];
	_ =	sdelay $0x4  }
0x5c: {  	v51 =	vshrl.u32 v3, $0x3  }
0x5d: {  	v4 =	vmul.u32 $0x30, v51  }
0x5e: {  	v3 =	vand.u32 $0x7, v3  }
0x5f: {  	v3 =	vor.u32 v3, v4  }
0x60: {  	v4 =	vperm.xlane v3, v0;
	_ =	sdelay $0x1  }
0x61: {  	v4 =	vadd.s32 v1, v4;
	_ =	sdelay $0x3  }
0x62: {  	v3 =	vperm.xlane v3, v2  }
0x63: {  	[tilespmem:s13], [sflag:$0x1] =	stream.indirect_vreg.gather [hbm4b:s0+s3], $0x80, v4, vm0, $0xb8;
	[tilespmem:$0x1D000] =	vst v63  }
0x64: {  	s9 =	simm.s32 $0xD800;
	v3 =	vadd.s32 v1, v3  }
0x65: {  	[tilespmem:s9], [sflag:$0x1] =	stream.indirect_vreg.gather [hbm4b:s6+s3], $0x80, v4, vm0, $0xb8;
	[tilespmem:$0x1D000] =	vst v63  }
0x66: {  	_ = 	snop  }
0x67: {  	[tilespmem:s16], [sflag:$0x1] =	stream.indirect_vreg.gather [hbm4b:s7+s3], $0x80, v4, vm0, $0xb8;
	[tilespmem:$0x1D000] =	vst v63  }
0x68: {  	_ = 	snop  }
0x69: {  	[tilespmem:s17], [sflag:$0x1] =	stream.indirect_vreg.gather [hbm4b:s0+s3], $0x80, v3, vm0, $0xb8;
	[tilespmem:$0x1D000] =	vst v63  }
0x6a: {  	_ = 	snop  }
0x6b: {  	[tilespmem:s18], [sflag:$0x1] =	stream.indirect_vreg.gather [hbm4b:s6+s3], $0x80, v3, vm0, $0xb8;
	[tilespmem:$0x1D000] =	vst v63  }
0x6c: {  	_ = 	snop  }
0x6d: {  	[tilespmem:s19], [sflag:$0x1] =	stream.indirect_vreg.gather [hbm4b:s7+s3], $0x80, v3, vm0, $0xb8;
	[tilespmem:$0x1D000] =	vst v63  }
0x6e: {  	v3 =	vld [tilespmem:s5+$0x80];
	_ =	sdelay $0x4  }
0x6f: {  	v52 =	vshrl.u32 v3, $0x3  }
0x70: {  	v4 =	vmul.u32 $0x30, v52  }
0x71: {  	v3 =	vand.u32 $0x7, v3  }
0x72: {  	v3 =	vor.u32 v3, v4  }
0x73: {  	v4 =	vperm.xlane v3, v0;
	_ =	sdelay $0x1  }
0x74: {  	v4 =	vadd.s32 v1, v4;
	_ =	sdelay $0x3  }
0x75: {  	s4 =	simm.s32 $0x10000;
	v3 =	vperm.xlane v3, v2  }
0x76: {  	[tilespmem:s4], [sflag:$0x2] =	stream.indirect_vreg.gather [hbm4b:s0+s3], $0x80, v4, vm0, $0xb8;
	[tilespmem:$0x1D000] =	vst v63  }
0x77: {  	s10 =	simm.s32 $0x10800;
	v3 =	vadd.s32 v1, v3  }
0x78: {  	[tilespmem:s10], [sflag:$0x2] =	stream.indirect_vreg.gather [hbm4b:s6+s3], $0x80, v4, vm0, $0xb8;
	[tilespmem:$0x1D000] =	vst v63  }
0x79: {  	s22 =	simm.s32 $0x11000  }
0x7a: {  	[tilespmem:s22], [sflag:$0x2] =	stream.indirect_vreg.gather [hbm4b:s7+s3], $0x80, v4, vm0, $0xb8;
	[tilespmem:$0x1D000] =	vst v63  }
0x7b: {  	s10 =	simm.s32 $0x11800  }
0x7c: {  	[tilespmem:s10], [sflag:$0x2] =	stream.indirect_vreg.gather [hbm4b:s0+s3], $0x80, v3, vm0, $0xb8;
	[tilespmem:$0x1D000] =	vst v63  }
0x7d: {  	s22 =	simm.s32 $0x12000  }
0x7e: {  	[tilespmem:s22], [sflag:$0x2] =	stream.indirect_vreg.gather [hbm4b:s6+s3], $0x80, v3, vm0, $0xb8;
	[tilespmem:$0x1D000] =	vst v63  }
0x7f: {  	s10 =	simm.s32 $0x12800  }
0x80: {  	[tilespmem:s10], [sflag:$0x2] =	stream.indirect_vreg.gather [hbm4b:s7+s3], $0x80, v3, vm0, $0xb8;
	[tilespmem:$0x1D000] =	vst v63  }
0x81: {  	v3 =	vld [tilespmem:s5+$0x90];
	_ =	sdelay $0x4  }
0x82: {  	v53 =	vshrl.u32 v3, $0x3  }
0x83: {  	v4 =	vmul.u32 $0x30, v53  }
0x84: {  	v3 =	vand.u32 $0x7, v3  }
0x85: {  	v3 =	vor.u32 v3, v4  }
0x86: {  	v4 =	vperm.xlane v3, v0;
	_ =	sdelay $0x1  }
0x87: {  	v4 =	vadd.s32 v1, v4;
	_ =	sdelay $0x3  }
0x88: {  	s22 =	simm.s32 $0x13000;
	v3 =	vperm.xlane v3, v2  }
0x89: {  	[tilespmem:s22], [sflag:$0x2] =	stream.indirect_vreg.gather [hbm4b:s0+s3], $0x80, v4, vm0, $0xb8;
	[tilespmem:$0x1D000] =	vst v63  }
0x8a: {  	s10 =	simm.s32 $0x13800;
	v3 =	vadd.s32 v1, v3  }
0x8b: {  	[tilespmem:s10], [sflag:$0x2] =	stream.indirect_vreg.gather [hbm4b:s6+s3], $0x80, v4, vm0, $0xb8;
	[tilespmem:$0x1D000] =	vst v63  }
0x8c: {  	s22 =	simm.s32 $0x14000  }
0x8d: {  	[tilespmem:s22], [sflag:$0x2] =	stream.indirect_vreg.gather [hbm4b:s7+s3], $0x80, v4, vm0, $0xb8;
	[tilespmem:$0x1D000] =	vst v63  }
0x8e: {  	s10 =	simm.s32 $0x14800  }
0x8f: {  	[tilespmem:s10], [sflag:$0x2] =	stream.indirect_vreg.gather [hbm4b:s0+s3], $0x80, v3, vm0, $0xb8;
	[tilespmem:$0x1D000] =	vst v63  }
0x90: {  	s22 =	simm.s32 $0x15000  }
0x91: {  	[tilespmem:s22], [sflag:$0x2] =	stream.indirect_vreg.gather [hbm4b:s6+s3], $0x80, v3, vm0, $0xb8;
	[tilespmem:$0x1D000] =	vst v63  }
0x92: {  	s10 =	simm.s32 $0x15800  }
0x93: {  	[tilespmem:s10], [sflag:$0x2] =	stream.indirect_vreg.gather [hbm4b:s7+s3], $0x80, v3, vm0, $0xb8;
	[tilespmem:$0x1D000] =	vst v63  }
0x94: {  	v3 =	vld [tilespmem:s5+$0xA0];
	_ =	sdelay $0x4  }
0x95: {  	v54 =	vshrl.u32 v3, $0x3  }
0x96: {  	v4 =	vmul.u32 $0x30, v54  }
0x97: {  	v3 =	vand.u32 $0x7, v3  }
0x98: {  	v3 =	vor.u32 v3, v4  }
0x99: {  	v4 =	vperm.xlane v3, v0;
	_ =	sdelay $0x1  }
0x9a: {  	v4 =	vadd.s32 v1, v4;
	_ =	sdelay $0x3  }
0x9b: {  	s22 =	simm.s32 $0x16000;
	v3 =	vperm.xlane v3, v2  }
0x9c: {  	[tilespmem:s22], [sflag:$0x2] =	stream.indirect_vreg.gather [hbm4b:s0+s3], $0x80, v4, vm0, $0xb8;
	[tilespmem:$0x1D000] =	vst v63  }
0x9d: {  	s10 =	simm.s32 $0x16800;
	v3 =	vadd.s32 v1, v3  }
0x9e: {  	[tilespmem:s10], [sflag:$0x2] =	stream.indirect_vreg.gather [hbm4b:s6+s3], $0x80, v4, vm0, $0xb8;
	[tilespmem:$0x1D000] =	vst v63  }
0x9f: {  	s22 =	simm.s32 $0x17000  }
0xa0: {  	[tilespmem:s22], [sflag:$0x2] =	stream.indirect_vreg.gather [hbm4b:s7+s3], $0x80, v4, vm0, $0xb8;
	[tilespmem:$0x1D000] =	vst v63  }
0xa1: {  	s10 =	simm.s32 $0x17800  }
0xa2: {  	[tilespmem:s10], [sflag:$0x2] =	stream.indirect_vreg.gather [hbm4b:s0+s3], $0x80, v3, vm0, $0xb8;
	[tilespmem:$0x1D000] =	vst v63  }
0xa3: {  	s22 =	simm.s32 $0x18000  }
0xa4: {  	[tilespmem:s22], [sflag:$0x2] =	stream.indirect_vreg.gather [hbm4b:s6+s3], $0x80, v3, vm0, $0xb8;
	[tilespmem:$0x1D000] =	vst v63  }
0xa5: {  	s10 =	simm.s32 $0x18800  }
0xa6: {  	[tilespmem:s10], [sflag:$0x2] =	stream.indirect_vreg.gather [hbm4b:s7+s3], $0x80, v3, vm0, $0xb8;
	[tilespmem:$0x1D000] =	vst v63  }
0xa7: {  	v3 =	vld [tilespmem:s5+$0xB0];
	_ =	sdelay $0x4  }
0xa8: {  	v55 =	vshrl.u32 v3, $0x3  }
0xa9: {  	v4 =	vmul.u32 $0x30, v55  }
0xaa: {  	v3 =	vand.u32 $0x7, v3  }
0xab: {  	v3 =	vor.u32 v3, v4  }
0xac: {  	v4 =	vperm.xlane v3, v0;
	_ =	sdelay $0x1  }
0xad: {  	v4 =	vadd.s32 v1, v4;
	_ =	sdelay $0x3  }
0xae: {  	s22 =	simm.s32 $0x19000;
	v3 =	vperm.xlane v3, v2  }
0xaf: {  	[tilespmem:s22], [sflag:$0x2] =	stream.indirect_vreg.gather [hbm4b:s0+s3], $0x80, v4, vm0, $0xb8;
	[tilespmem:$0x1D000] =	vst v63  }
0xb0: {  	s10 =	simm.s32 $0x19800;
	v3 =	vadd.s32 v1, v3  }
0xb1: {  	[tilespmem:s10], [sflag:$0x2] =	stream.indirect_vreg.gather [hbm4b:s6+s3], $0x80, v4, vm0, $0xb8;
	[tilespmem:$0x1D000] =	vst v63  }
0xb2: {  	s22 =	simm.s32 $0x1A000  }
0xb3: {  	[tilespmem:s22], [sflag:$0x2] =	stream.indirect_vreg.gather [hbm4b:s7+s3], $0x80, v4, vm0, $0xb8;
	[tilespmem:$0x1D000] =	vst v63  }
0xb4: {  	s10 =	simm.s32 $0x1A800  }
0xb5: {  	[tilespmem:s10], [sflag:$0x2] =	stream.indirect_vreg.gather [hbm4b:s0+s3], $0x80, v3, vm0, $0xb8;
	[tilespmem:$0x1D000] =	vst v63  }
0xb6: {  	s22 =	simm.s32 $0x1B000  }
0xb7: {  	[tilespmem:s22], [sflag:$0x2] =	stream.indirect_vreg.gather [hbm4b:s6+s3], $0x80, v3, vm0, $0xb8;
	[tilespmem:$0x1D000] =	vst v63  }
0xb8: {  	s1 =	simm.s32 $0x1;
	s10 =	simm.s32 $0x1B800  }
0xb9: {  	[tilespmem:s10], [sflag:$0x2] =	stream.indirect_vreg.gather [hbm4b:s7+s3], $0x80, v3, vm0, $0xb8;
	[tilespmem:$0x1D000] =	vst v63  }
0xba: {  	_ =	swait.ge [sflag:s1], $0xC000  }
0xbb: {  	[sflag:s1] =	ssyncset.done $0x0  }
0xbc: {  	s10 =	simm.s32 $0x4000;
	s22 =	rddreg [dreg:$0xc];
	[sflag:s1] =	ssyncadd.s32 $0xFFFF4000  }
0xbd: {  	[hbm4b:s22+s3] =	stream.linear.scatter [tilespmem:s10], [sflag:$0x3], $0xC000, $0x38;
	[tilespmem:$0x1D000] =	vst v63  }
0xbe: {  	_ =	swait.ge [sflag:s2], $0xC000  }
0xbf: {  	[sflag:s2] =	ssyncset.done $0x0  }
0xc0: {  	[sflag:s2] =	ssyncadd.s32 $0xFFFF4000  }
0xc1: {  	v3 =	vld [tilespmem:s5+$0x100];
	_ =	sdelay $0x4  }
0xc2: {  	v56 =	vshrl.u32 v3, $0x3  }
0xc3: {  	v4 =	vmul.u32 $0x30, v56  }
0xc4: {  	v3 =	vand.u32 $0x7, v3  }
0xc5: {  	v3 =	vor.u32 v3, v4  }
0xc6: {  	v4 =	vperm.xlane v3, v0;
	_ =	sdelay $0x1  }
0xc7: {  	v4 =	vadd.s32 v1, v4;
	_ =	sdelay $0x3  }
0xc8: {  	v3 =	vperm.xlane v3, v2  }
0xc9: {  	[tilespmem:s10], [sflag:$0x1] =	stream.indirect_vreg.gather [hbm4b:s0+s3], $0x80, v4, vm0, $0xb8;
	[tilespmem:$0x1D000] =	vst v63  }
0xca: {  	v3 =	vadd.s32 v1, v3  }
0xcb: {  	[tilespmem:s23], [sflag:$0x1] =	stream.indirect_vreg.gather [hbm4b:s6+s3], $0x80, v4, vm0, $0xb8;
	[tilespmem:$0x1D000] =	vst v63  }
0xcc: {  	_ = 	snop  }
0xcd: {  	[tilespmem:s24], [sflag:$0x1] =	stream.indirect_vreg.gather [hbm4b:s7+s3], $0x80, v4, vm0, $0xb8;
	[tilespmem:$0x1D000] =	vst v63  }
0xce: {  	_ = 	snop  }
0xcf: {  	[tilespmem:s25], [sflag:$0x1] =	stream.indirect_vreg.gather [hbm4b:s0+s3], $0x80, v3, vm0, $0xb8;
	[tilespmem:$0x1D000] =	vst v63  }
0xd0: {  	_ = 	snop  }
0xd1: {  	[tilespmem:s26], [sflag:$0x1] =	stream.indirect_vreg.gather [hbm4b:s6+s3], $0x80, v3, vm0, $0xb8;
	[tilespmem:$0x1D000] =	vst v63  }
0xd2: {  	_ = 	snop  }
0xd3: {  	[tilespmem:s28], [sflag:$0x1] =	stream.indirect_vreg.gather [hbm4b:s7+s3], $0x80, v3, vm0, $0xb8;
	[tilespmem:$0x1D000] =	vst v63  }
0xd4: {  	v3 =	vld [tilespmem:s5+$0x110];
	_ =	sdelay $0x4  }
0xd5: {  	v57 =	vshrl.u32 v3, $0x3  }
0xd6: {  	v4 =	vmul.u32 $0x30, v57  }
0xd7: {  	v3 =	vand.u32 $0x7, v3  }
0xd8: {  	v3 =	vor.u32 v3, v4  }
0xd9: {  	v4 =	vperm.xlane v3, v0;
	_ =	sdelay $0x1  }
0xda: {  	v4 =	vadd.s32 v1, v4;
	_ =	sdelay $0x3  }
0xdb: {  	v3 =	vperm.xlane v3, v2  }
0xdc: {  	[tilespmem:s29], [sflag:$0x1] =	stream.indirect_vreg.gather [hbm4b:s0+s3], $0x80, v4, vm0, $0xb8;
	[tilespmem:$0x1D000] =	vst v63  }
0xdd: {  	v3 =	vadd.s32 v1, v3  }
0xde: {  	[tilespmem:s30], [sflag:$0x1] =	stream.indirect_vreg.gather [hbm4b:s6+s3], $0x80, v4, vm0, $0xb8;
	[tilespmem:$0x1D000] =	vst v63  }
0xdf: {  	_ = 	snop  }
0xe0: {  	[tilespmem:s31], [sflag:$0x1] =	stream.indirect_vreg.gather [hbm4b:s7+s3], $0x80, v4, vm0, $0xb8;
	[tilespmem:$0x1D000] =	vst v63  }
0xe1: {  	s22 =	simm.s32 $0x8800  }
0xe2: {  	[tilespmem:s22], [sflag:$0x1] =	stream.indirect_vreg.gather [hbm4b:s0+s3], $0x80, v3, vm0, $0xb8;
	[tilespmem:$0x1D000] =	vst v63  }
0xe3: {  	s23 =	simm.s32 $0x9000  }
0xe4: {  	[tilespmem:s23], [sflag:$0x1] =	stream.indirect_vreg.gather [hbm4b:s6+s3], $0x80, v3, vm0, $0xb8;
	[tilespmem:$0x1D000] =	vst v63  }
0xe5: {  	s22 =	simm.s32 $0x9800  }
0xe6: {  	[tilespmem:s22], [sflag:$0x1] =	stream.indirect_vreg.gather [hbm4b:s7+s3], $0x80, v3, vm0, $0xb8;
	[tilespmem:$0x1D000] =	vst v63  }
0xe7: {  	v3 =	vld [tilespmem:s5+$0x120];
	_ =	sdelay $0x4  }
0xe8: {  	v58 =	vshrl.u32 v3, $0x3  }
0xe9: {  	v4 =	vmul.u32 $0x30, v58  }
0xea: {  	v3 =	vand.u32 $0x7, v3  }
0xeb: {  	v3 =	vor.u32 v3, v4  }
0xec: {  	v4 =	vperm.xlane v3, v0;
	_ =	sdelay $0x1  }
0xed: {  	v4 =	vadd.s32 v1, v4;
	_ =	sdelay $0x3  }
0xee: {  	s23 =	simm.s32 $0xA000;
	v3 =	vperm.xlane v3, v2  }
0xef: {  	[tilespmem:s23], [sflag:$0x1] =	stream.indirect_vreg.gather [hbm4b:s0+s3], $0x80, v4, vm0, $0xb8;
	[tilespmem:$0x1D000] =	vst v63  }
0xf0: {  	v3 =	vadd.s32 v1, v3  }
0xf1: {  	[tilespmem:s14], [sflag:$0x1] =	stream.indirect_vreg.gather [hbm4b:s6+s3], $0x80, v4, vm0, $0xb8;
	[tilespmem:$0x1D000] =	vst v63  }
0xf2: {  	_ = 	snop  }
0xf3: {  	[tilespmem:s15], [sflag:$0x1] =	stream.indirect_vreg.gather [hbm4b:s7+s3], $0x80, v4, vm0, $0xb8;
	[tilespmem:$0x1D000] =	vst v63  }
0xf4: {  	_ = 	snop  }
0xf5: {  	[tilespmem:s20], [sflag:$0x1] =	stream.indirect_vreg.gather [hbm4b:s0+s3], $0x80, v3, vm0, $0xb8;
	[tilespmem:$0x1D000] =	vst v63  }
0xf6: {  	_ = 	snop  }
0xf7: {  	[tilespmem:s21], [sflag:$0x1] =	stream.indirect_vreg.gather [hbm4b:s6+s3], $0x80, v3, vm0, $0xb8;
	[tilespmem:$0x1D000] =	vst v63  }
0xf8: {  	_ = 	snop  }
0xf9: {  	[tilespmem:s11], [sflag:$0x1] =	stream.indirect_vreg.gather [hbm4b:s7+s3], $0x80, v3, vm0, $0xb8;
	[tilespmem:$0x1D000] =	vst v63  }
0xfa: {  	v3 =	vld [tilespmem:s5+$0x130];
	_ =	sdelay $0x4  }
0xfb: {  	v59 =	vshrl.u32 v3, $0x3  }
0xfc: {  	v4 =	vmul.u32 $0x30, v59  }
0xfd: {  	v3 =	vand.u32 $0x7, v3  }
0xfe: {  	v3 =	vor.u32 v3, v4  }
0xff: {  	v4 =	vperm.xlane v3, v0;
	_ =	sdelay $0x1  }
0x100: {  	v4 =	vadd.s32 v1, v4;
	_ =	sdelay $0x3  }
0x101: {  	v3 =	vperm.xlane v3, v2  }
0x102: {  	[tilespmem:s13], [sflag:$0x1] =	stream.indirect_vreg.gather [hbm4b:s0+s3], $0x80, v4, vm0, $0xb8;
	[tilespmem:$0x1D000] =	vst v63  }
0x103: {  	v3 =	vadd.s32 v1, v3  }
0x104: {  	[tilespmem:s9], [sflag:$0x1] =	stream.indirect_vreg.gather [hbm4b:s6+s3], $0x80, v4, vm0, $0xb8;
	[tilespmem:$0x1D000] =	vst v63  }
0x105: {  	_ = 	snop  }
0x106: {  	[tilespmem:s16], [sflag:$0x1] =	stream.indirect_vreg.gather [hbm4b:s7+s3], $0x80, v4, vm0, $0xb8;
	[tilespmem:$0x1D000] =	vst v63  }
0x107: {  	_ = 	snop  }
0x108: {  	[tilespmem:s17], [sflag:$0x1] =	stream.indirect_vreg.gather [hbm4b:s0+s3], $0x80, v3, vm0, $0xb8;
	[tilespmem:$0x1D000] =	vst v63  }
0x109: {  	_ = 	snop  }
0x10a: {  	[tilespmem:s18], [sflag:$0x1] =	stream.indirect_vreg.gather [hbm4b:s6+s3], $0x80, v3, vm0, $0xb8;
	[tilespmem:$0x1D000] =	vst v63  }
0x10b: {  	s9 =	simm.s32 $0x2  }
0x10c: {  	[tilespmem:s19], [sflag:$0x1] =	stream.indirect_vreg.gather [hbm4b:s7+s3], $0x80, v3, vm0, $0xb8;
	[tilespmem:$0x1D000] =	vst v63  }
0x10d: {  	_ =	swait.ge [sflag:s9], $0xC000  }
0x10e: {  	[sflag:s9] =	ssyncset.done $0x0  }
0x10f: {  	s11 =	rddreg [dreg:$0x7];
	[sflag:s9] =	ssyncadd.s32 $0xFFFF4000  }
0x110: {  	[hbm4b:s11+s3] =	stream.linear.scatter [tilespmem:s4], [sflag:$0x4], $0xC000, $0x38;
	[tilespmem:$0x1D000] =	vst v63  }
0x111: {  	s11 =	simm.s32 $0x4  }
0x112: {  	_ =	swait.ge [sflag:s11], $0xC000  }
0x113: {  	[sflag:s11] =	ssyncset.done $0x0  }
0x114: {  	[sflag:s11] =	ssyncadd.s32 $0xFFFF4000  }
0x115: {  	v3 =	vld [tilespmem:s5+$0x180];
	_ =	sdelay $0x4  }
0x116: {  	v60 =	vshrl.u32 v3, $0x3  }
0x117: {  	v4 =	vmul.u32 $0x30, v60  }
0x118: {  	v3 =	vand.u32 $0x7, v3  }
0x119: {  	v3 =	vor.u32 v3, v4  }
0x11a: {  	v4 =	vperm.xlane v3, v0;
	_ =	sdelay $0x1  }
0x11b: {  	v4 =	vadd.s32 v1, v4;
	_ =	sdelay $0x3  }
0x11c: {  	v3 =	vperm.xlane v3, v2  }
0x11d: {  	[tilespmem:s4], [sflag:$0x2] =	stream.indirect_vreg.gather [hbm4b:s0+s3], $0x80, v4, vm0, $0xb8;
	[tilespmem:$0x1D000] =	vst v63  }
0x11e: {  	s22 =	simm.s32 $0x10800;
	v3 =	vadd.s32 v1, v3  }
0x11f: {  	[tilespmem:s22], [sflag:$0x2] =	stream.indirect_vreg.gather [hbm4b:s6+s3], $0x80, v4, vm0, $0xb8;
	[tilespmem:$0x1D000] =	vst v63  }
0x120: {  	s23 =	simm.s32 $0x11000  }
0x121: {  	[tilespmem:s23], [sflag:$0x2] =	stream.indirect_vreg.gather [hbm4b:s7+s3], $0x80, v4, vm0, $0xb8;
	[tilespmem:$0x1D000] =	vst v63  }
0x122: {  	s22 =	simm.s32 $0x11800  }
0x123: {  	[tilespmem:s22], [sflag:$0x2] =	stream.indirect_vreg.gather [hbm4b:s0+s3], $0x80, v3, vm0, $0xb8;
	[tilespmem:$0x1D000] =	vst v63  }
0x124: {  	s23 =	simm.s32 $0x12000  }
0x125: {  	[tilespmem:s23], [sflag:$0x2] =	stream.indirect_vreg.gather [hbm4b:s6+s3], $0x80, v3, vm0, $0xb8;
	[tilespmem:$0x1D000] =	vst v63  }
0x126: {  	s22 =	simm.s32 $0x12800  }
0x127: {  	[tilespmem:s22], [sflag:$0x2] =	stream.indirect_vreg.gather [hbm4b:s7+s3], $0x80, v3, vm0, $0xb8;
	[tilespmem:$0x1D000] =	vst v63  }
0x128: {  	v3 =	vld [tilespmem:s5+$0x190];
	_ =	sdelay $0x4  }
0x129: {  	v61 =	vshrl.u32 v3, $0x3  }
0x12a: {  	v4 =	vmul.u32 $0x30, v61  }
0x12b: {  	v3 =	vand.u32 $0x7, v3  }
0x12c: {  	v3 =	vor.u32 v3, v4  }
0x12d: {  	v4 =	vperm.xlane v3, v0;
	_ =	sdelay $0x1  }
0x12e: {  	v4 =	vadd.s32 v1, v4;
	_ =	sdelay $0x3  }
0x12f: {  	s23 =	simm.s32 $0x13000;
	v3 =	vperm.xlane v3, v2  }
0x130: {  	[tilespmem:s23], [sflag:$0x2] =	stream.indirect_vreg.gather [hbm4b:s0+s3], $0x80, v4, vm0, $0xb8;
	[tilespmem:$0x1D000] =	vst v63  }
0x131: {  	s22 =	simm.s32 $0x13800;
	v3 =	vadd.s32 v1, v3  }
0x132: {  	[tilespmem:s22], [sflag:$0x2] =	stream.indirect_vreg.gather [hbm4b:s6+s3], $0x80, v4, vm0, $0xb8;
	[tilespmem:$0x1D000] =	vst v63  }
0x133: {  	s23 =	simm.s32 $0x14000  }
0x134: {  	[tilespmem:s23], [sflag:$0x2] =	stream.indirect_vreg.gather [hbm4b:s7+s3], $0x80, v4, vm0, $0xb8;
	[tilespmem:$0x1D000] =	vst v63  }
0x135: {  	s22 =	simm.s32 $0x14800  }
0x136: {  	[tilespmem:s22], [sflag:$0x2] =	stream.indirect_vreg.gather [hbm4b:s0+s3], $0x80, v3, vm0, $0xb8;
	[tilespmem:$0x1D000] =	vst v63  }
0x137: {  	s23 =	simm.s32 $0x15000  }
0x138: {  	[tilespmem:s23], [sflag:$0x2] =	stream.indirect_vreg.gather [hbm4b:s6+s3], $0x80, v3, vm0, $0xb8;
	[tilespmem:$0x1D000] =	vst v63  }
0x139: {  	s22 =	simm.s32 $0x15800  }
0x13a: {  	[tilespmem:s22], [sflag:$0x2] =	stream.indirect_vreg.gather [hbm4b:s7+s3], $0x80, v3, vm0, $0xb8;
	[tilespmem:$0x1D000] =	vst v63  }
0x13b: {  	v3 =	vld [tilespmem:s5+$0x1A0];
	_ =	sdelay $0x4  }
0x13c: {  	v62 =	vshrl.u32 v3, $0x3  }
0x13d: {  	v4 =	vmul.u32 $0x30, v62  }
0x13e: {  	v3 =	vand.u32 $0x7, v3  }
0x13f: {  	v3 =	vor.u32 v3, v4  }
0x140: {  	v4 =	vperm.xlane v3, v0;
	_ =	sdelay $0x1  }
0x141: {  	v4 =	vadd.s32 v1, v4;
	_ =	sdelay $0x3  }
0x142: {  	s23 =	simm.s32 $0x16000;
	v3 =	vperm.xlane v3, v2  }
0x143: {  	[tilespmem:s23], [sflag:$0x2] =	stream.indirect_vreg.gather [hbm4b:s0+s3], $0x80, v4, vm0, $0xb8;
	[tilespmem:$0x1D000] =	vst v63  }
0x144: {  	s22 =	simm.s32 $0x16800;
	v3 =	vadd.s32 v1, v3  }
0x145: {  	[tilespmem:s22], [sflag:$0x2] =	stream.indirect_vreg.gather [hbm4b:s6+s3], $0x80, v4, vm0, $0xb8;
	[tilespmem:$0x1D000] =	vst v63  }
0x146: {  	s23 =	simm.s32 $0x17000  }
0x147: {  	[tilespmem:s23], [sflag:$0x2] =	stream.indirect_vreg.gather [hbm4b:s7+s3], $0x80, v4, vm0, $0xb8;
	[tilespmem:$0x1D000] =	vst v63  }
0x148: {  	s22 =	simm.s32 $0x17800  }
0x149: {  	[tilespmem:s22], [sflag:$0x2] =	stream.indirect_vreg.gather [hbm4b:s0+s3], $0x80, v3, vm0, $0xb8;
	[tilespmem:$0x1D000] =	vst v63  }
0x14a: {  	s23 =	simm.s32 $0x18000  }
0x14b: {  	[tilespmem:s23], [sflag:$0x2] =	stream.indirect_vreg.gather [hbm4b:s6+s3], $0x80, v3, vm0, $0xb8;
	[tilespmem:$0x1D000] =	vst v63  }
0x14c: {  	s22 =	simm.s32 $0x18800  }
0x14d: {  	[tilespmem:s22], [sflag:$0x2] =	stream.indirect_vreg.gather [hbm4b:s7+s3], $0x80, v3, vm0, $0xb8;
	[tilespmem:$0x1D000] =	vst v63  }
0x14e: {  	v3 =	vld [tilespmem:s5+$0x1B0];
	_ =	sdelay $0x4  }
0x14f: {  	v63 =	vshrl.u32 v3, $0x3  }
0x150: {  	v4 =	vmul.u32 $0x30, v63  }
0x151: {  	v3 =	vand.u32 $0x7, v3  }
0x152: {  	v3 =	vor.u32 v3, v4  }
0x153: {  	v4 =	vperm.xlane v3, v0;
	_ =	sdelay $0x1  }
0x154: {  	v4 =	vadd.s32 v1, v4;
	_ =	sdelay $0x3  }
0x155: {  	s23 =	simm.s32 $0x19000;
	v3 =	vperm.xlane v3, v2  }
0x156: {  	[tilespmem:s23], [sflag:$0x2] =	stream.indirect_vreg.gather [hbm4b:s0+s3], $0x80, v4, vm0, $0xb8;
	[tilespmem:$0x1D000] =	vst v63  }
0x157: {  	s22 =	simm.s32 $0x19800;
	v3 =	vadd.s32 v1, v3  }
0x158: {  	[tilespmem:s22], [sflag:$0x2] =	stream.indirect_vreg.gather [hbm4b:s6+s3], $0x80, v4, vm0, $0xb8;
	[tilespmem:$0x1D000] =	vst v63  }
0x159: {  	s23 =	simm.s32 $0x1A000  }
0x15a: {  	[tilespmem:s23], [sflag:$0x2] =	stream.indirect_vreg.gather [hbm4b:s7+s3], $0x80, v4, vm0, $0xb8;
	[tilespmem:$0x1D000] =	vst v63  }
0x15b: {  	s22 =	simm.s32 $0x1A800  }
0x15c: {  	[tilespmem:s22], [sflag:$0x2] =	stream.indirect_vreg.gather [hbm4b:s0+s3], $0x80, v3, vm0, $0xb8;
	[tilespmem:$0x1D000] =	vst v63  }
0x15d: {  	s23 =	simm.s32 $0x1B000  }
0x15e: {  	[tilespmem:s23], [sflag:$0x2] =	stream.indirect_vreg.gather [hbm4b:s6+s3], $0x80, v3, vm0, $0xb8;
	[tilespmem:$0x1D000] =	vst v63  }
0x15f: {  	s22 =	simm.s32 $0x1B800  }
0x160: {  	[tilespmem:s22], [sflag:$0x2] =	stream.indirect_vreg.gather [hbm4b:s7+s3], $0x80, v3, vm0, $0xb8;
	[tilespmem:$0x1D000] =	vst v63  }
0x161: {  	_ =	swait.ge [sflag:s1], $0xC000  }
0x162: {  	[sflag:s1] =	ssyncset.done $0x0  }
0x163: {  	s10 =	simm.s32 $0x4000;
	s23 =	rddreg [dreg:$0x8];
	[sflag:s1] =	ssyncadd.s32 $0xFFFF4000  }
0x164: {  	[hbm4b:s23+s3] =	stream.linear.scatter [tilespmem:s10], [sflag:$0x3], $0xC000, $0x38;
	[tilespmem:$0x1D000] =	vst v63  }
0x165: {  	_ =	swait.ge [sflag:s9], $0xC000  }
0x166: {  	s23 =	rddreg [dreg:$0x9];
	[sflag:s9] =	ssyncset.done $0x0  }
0x167: {  	s1 =	rddreg [dreg:$0xa];
	[sflag:s9] =	ssyncadd.s32 $0xFFFF4000  }
0x168: {  	[hbm4b:s23+s3] =	stream.linear.scatter [tilespmem:s4], [sflag:$0x4], $0xC000, $0x38;
	[tilespmem:$0x1D000] =	vst v63  }
0x169: {  	s22 =	simm.s32 $0x400;
	s10 =	simm.s32 $0x80;
	s9 =	rddreg [dreg:$0xd]  }
0x16a: {  	[tilespmem:s9], [sflag:$0x5] =	stream.strided.gather [hbm4b:s1+s10], $0x800, s22, s10, $0x38;
	[tilespmem:$0x1D000] =	vst v63  }
0x16b: {  	_ =	swait.ge [sflag:s12], $0x800  }
0x16c: {  	[sflag:s12] =	ssyncset.done $0x0  }
0x16d: {  	s23 =	rddreg [dreg:$0xb];
	[sflag:s12] =	ssyncadd.s32 $0xFFFFF800  }
0x16e: {  	[hbm4b:s23+s10] =	stream.strided.scatter [tilespmem:s9], [sflag:$0x5], $0x800, s22, s10, $0x38;
	[tilespmem:$0x1D000] =	vst v63  }
0x16f: {  	_ =	swait.ge [sflag:s12], $0x800  }
0x170: {  	[sflag:s12] =	ssyncset.done $0x0  }
0x171: {  	[sflag:s12] =	ssyncadd.s32 $0xFFFFF800  }
0x172: {  	p0 =	sne.s32 s8, $0x1;
	_ =	swait.ge [sflag:s2], $0xC000  }
.Ltmp0:
0x173: {  	[sflag:s2] =	ssyncset.done $0x0;
	(pc) =	sbr.rel @p0 .LBB2_1-.Ltmp0, $4  }
0x174: {  	[sflag:s2] =	ssyncadd.s32 $0xFFFF4000  }
0x175: {  	_ =	swait.ge [sflag:s11], $0xC000  }
0x176: {  	[sflag:s11] =	ssyncset.done $0x0  }
0x177: {  	s8 =	sadd.s32 $0xFFFFFFFF, s8;
	[sflag:s11] =	ssyncadd.s32 $0xFFFF4000  }
0x178: {  	_ =	sfence.sel $0x180000  }
0x179: {  	[bflag:$0x0] =	sbarrier.arrive $0xFFFF  }
0x17a: {  	_ =	strace $0x90000047  }
0x17b: {  	s0 =	stileid.u32;
	[bflag:$0x2] =	sbarrier.arrive $0xFFFF  }
0x17c: {  	p0 =	sne.s32 s0, $0x0;
	s0 =	rddreg [dreg:$0x5]  }
0x17d: {  	s0 =	sadd.s32 @!p0 $0x100000, s0  }
0x17e: {  	[sflag:s0] =	ssyncadd.tile.s32 @!p0 $0x1;
	_ =	shalt  }
.Lfunc_end2:
_tile_overlayer_lowered:
.L_overlay_start_2:
0x17f: {  	(tag) =	ssettag $0x2  }
0x180: {  	s0 =	rddreg [dreg:$0x0];
	s2 =	stileid.u32  }
0x181: {  	s1 =	rddreg [dreg:$0x1];
	p0 =	sne.s32 s2, $0x0  }
0x182: {  	s3 =	rddreg [dreg:$0x2];
	[bflag:$0x3] =	sbarrier.arrive $0xFFFF;
	s2 =	simm.s32 @!p0 $0x1C05  }
0x183: {  	[timem:s3], [sflag:s2] =	dma.local @!p0 [hbm:s0], s1  }
0x184: {  	s0 =	simm.s32 @!p0 $0x5  }
0x185: {  	_ =	swait.ge @!p0 [sflag:s0], s1  }
0x186: {  	s1 =	ssub.s32 @!p0 $0x0, s1;
	[sflag:s0] =	ssyncset.done @!p0 $0x0  }
0x187: {  	[sflag:s0] =	ssyncadd.s32 @!p0 s1  }
0x188: {  	[bflag:$0x3] =	sbarrier.arrive $0xFFFF  }
0x189: {  	_ =	shalt  }

</sc_bundles>
